<compile_context>
chip_gen: v7x
topology: tpu7x:2x2x1
jax: 0.10.2.dev20260603
libtpu: 0.0.44.dev20260713+nightly
codegen_flags: <defaults>
</compile_context>

<pallas_src>
import functools
import math

import jax
import jax.numpy as jnp
from jax import lax
from jax.experimental import pallas as pl
from jax.experimental.pallas import tpu as pltpu
from jax.experimental.pallas import tpu_sc as plsc

HEAD_DIM = 128
NUM_HEADS = 32
NUM_GROUPS = 8
HEADS_PER_GROUP = NUM_HEADS // NUM_GROUPS
NUM_BLOCKS = 64
BLOCK = 64
NSEL = 16
BATCH = 4
SEQ = 4096
NW = 32
ROWS_PER_W = NSEL * BLOCK
CHUNK = 128
NCHUNK = ROWS_PER_W // CHUNK
NJOBS = 2 * NCHUNK
NBUF = 7
DEPTH = 6


def _score_topk_body(q_ref, ck_ref, out_ref):
    diags = []
    for b in range(BATCH):
        q = q_ref[b, :, 0, :]
        ck = ck_ref[b].reshape(NUM_HEADS * NUM_BLOCKS, HEAD_DIM)
        s = lax.dot_general(q, ck, (((1,), (1,)), ((), ())))
        s3 = s.reshape(NUM_HEADS, NUM_HEADS, NUM_BLOCKS)
        hi = lax.broadcasted_iota(jnp.int32, s3.shape, 0)
        hj = lax.broadcasted_iota(jnp.int32, s3.shape, 1)
        diags.append(jnp.sum(jnp.where(hi == hj, s3, 0.0), axis=1))
    s2 = jnp.concatenate(diags, axis=0) / math.sqrt(HEAD_DIM)
    m = jnp.max(s2, axis=-1, keepdims=True)
    e = jnp.exp(s2 - m)
    p = e / jnp.sum(e, axis=-1, keepdims=True)
    p3d = p.reshape(NW, HEADS_PER_GROUP, NUM_BLOCKS)
    pg = (((p3d[:, 0, :] + p3d[:, 1, :]) + p3d[:, 2, :]) + p3d[:, 3, :]) / 4.0
    ii = lax.broadcasted_iota(jnp.int32, (NW, NUM_BLOCKS), 1)
    gflat = lax.broadcasted_iota(jnp.int32, (NW, NUM_BLOCKS), 0)
    base = gflat * SEQ
    cur = pg
    for r in range(NSEL):
        mx = jnp.max(cur, axis=-1, keepdims=True)
        am = jnp.min(jnp.where(cur == mx, ii, NUM_BLOCKS),
                     axis=-1, keepdims=True)
        rows = base + am * BLOCK + ii
        out_ref[:, r // 2, pl.ds((r % 2) * BLOCK, BLOCK)] = rows
        cur = jnp.where(ii == am, -1.0, cur)


def _score_topk(query, compressed_keys, interpret=False):
    return pl.pallas_call(
        _score_topk_body,
        in_specs=[
            pl.BlockSpec((BATCH, NUM_HEADS, 1, HEAD_DIM),
                         lambda: (0, 0, 0, 0)),
            pl.BlockSpec((BATCH, NUM_HEADS, NUM_BLOCKS, HEAD_DIM),
                         lambda: (0, 0, 0, 0)),
        ],
        out_specs=pl.BlockSpec((NW, NCHUNK, CHUNK), lambda: (0, 0, 0)),
        out_shape=jax.ShapeDtypeStruct((NW, NCHUNK, CHUNK), jnp.int32),
        interpret=interpret,
    )(query, compressed_keys)


def _sc_gather_body(kt, vt, gidx, outk, outv, idx_v, bufs, gsems, ssems):
    cid = lax.axis_index("c")
    sid = lax.axis_index("s")
    wid = sid * 2 + cid
    pltpu.sync_copy(gidx.at[wid], idx_v)
    obase = wid * ROWS_PER_W
    tabs = (kt, vt)
    outs = (outk, outv)

    def fire_gather(j):
        path, chunk = j % 2, j // 2
        return pltpu.async_copy(tabs[path].at[idx_v.at[chunk]],
                                bufs[j % NBUF], gsems[j % NBUF])

    def fire_scatter(j):
        path, chunk = j % 2, j // 2
        dst = outs[path].at[pl.ds(obase + chunk * CHUNK, CHUNK)]
        return pltpu.async_copy(bufs[j % NBUF], dst, ssems[j % NBUF])

    hg = {}
    hs = {}
    for j in range(DEPTH):
        hg[j] = fire_gather(j)
    for j in range(NJOBS):
        hg[j].wait()
        hs[j] = fire_scatter(j)
        nxt = j + DEPTH
        if nxt < NJOBS:
            prev = nxt - NBUF
            if prev >= 0:
                hs[prev].wait()
            hg[nxt] = fire_gather(nxt)
    for j in range(NJOBS - NBUF, NJOBS):
        hs[j].wait()


@functools.cache
def _sc_gather():
    def body(kt, vt, gidx, outk, outv, idx_v, *rest):
        bufs = rest[:NBUF]
        gsems = rest[NBUF:2 * NBUF]
        ssems = rest[2 * NBUF:]
        _sc_gather_body(kt, vt, gidx, outk, outv, idx_v, bufs, gsems, ssems)

    return pl.kernel(
        body,
        out_type=(
            jax.ShapeDtypeStruct((NW * ROWS_PER_W, HEAD_DIM), jnp.float32),
            jax.ShapeDtypeStruct((NW * ROWS_PER_W, HEAD_DIM), jnp.float32),
        ),
        mesh=plsc.VectorSubcoreMesh(core_axis_name="c", subcore_axis_name="s"),
        scratch_types=(
            [pltpu.VMEM((NCHUNK, CHUNK), jnp.int32)]
            + [pltpu.VMEM((CHUNK, HEAD_DIM), jnp.float32)] * NBUF
            + [pltpu.SemaphoreType.DMA] * (2 * NBUF)
        ),
    )


def kernel(query, compressed_keys, keys, values):
    gidx = _score_topk(query, compressed_keys)
    kt = keys.reshape(NW * SEQ, HEAD_DIM)
    vt = values.reshape(NW * SEQ, HEAD_DIM)
    outk, outv = _sc_gather()(kt, vt, gidx)
    return (outk.reshape(BATCH, NUM_GROUPS, ROWS_PER_W, HEAD_DIM),
            outv.reshape(BATCH, NUM_GROUPS, ROWS_PER_W, HEAD_DIM))

# --- scband reference (transcript-rebuilt; emitter-appended) ---
"""Pipeline reference for scband-blockwise-selector-20005957665573 (READ-ONLY COPY).

The authoritative reference and input builder live on the scoring server;
editing this copy changes nothing except your own understanding.
"""

import jax, jax.numpy as jnp
import numpy as np

HEAD_DIM = 128
NUM_QUERY_GROUPS = 8
BLOCK_SIZE = 64
NUM_SELECTED = 16


def setup_inputs(seed: int = 0) -> dict:
    key = jax.random.key(seed)
    k1, k2, k3, k4 = jax.random.split(key, 4)
    query = jax.random.normal(k1, (4, 32, 1, 128), dtype=jnp.float32)
    compressed_keys = jax.random.normal(k2, (4, 32, 64, 128), dtype=jnp.float32)
    keys = jax.random.normal(k3, (4, 8, 4096, 128), dtype=jnp.float32)
    values = jax.random.normal(k4, (4, 8, 4096, 128), dtype=jnp.float32)
    return {"query": query, "compressed_keys": compressed_keys, "keys": keys, "values": values}


def reference(query, compressed_keys, keys, values):
    # compute_importance_scores
    q = query[:, :, -1:, :]
    scores = jnp.matmul(q, jnp.swapaxes(compressed_keys, -2, -1))
    scores = scores[:, :, 0, :]  # squeeze(2)
    scores = scores / (HEAD_DIM ** 0.5)
    probs = jax.nn.softmax(scores, axis=-1)
    B, H, N = probs.shape
    G = NUM_QUERY_GROUPS
    heads_per_group = H // G
    probs = probs.reshape(B, G, heads_per_group, N).mean(axis=2)  # [B, G, N]
    # select_blocks
    n = min(NUM_SELECTED, probs.shape[-1])
    _, indices = jax.lax.top_k(probs, n)  # [B, G, n]
    Bk, num_heads, S, D = keys.shape
    block_starts = indices * BLOCK_SIZE
    offsets = jnp.arange(BLOCK_SIZE)
    gather_idx = (block_starts[..., None] + offsets.reshape(1, 1, 1, -1)).reshape(Bk, num_heads, n * BLOCK_SIZE)
    gi = jnp.broadcast_to(gather_idx[..., None], (Bk, num_heads, n * BLOCK_SIZE, D))
    selected_keys = jnp.take_along_axis(keys, gi, axis=2)
    selected_values = jnp.take_along_axis(values, gi, axis=2)
    return selected_keys, selected_values

if __name__ == "__main__":
    import jax
    _d = setup_inputs()
    print(jax.jit(kernel)(*tuple(_d.values())))

</pallas_src>

<mosaic_0001>
#map = affine_map<(d0, d1) -> (0, 0)>
#map1 = affine_map<(d0, d1) -> (0, 0, 0)>
module attributes {stable_mosaic.version = 14 : i64} {
  func.func @body(%arg0: i32, %arg1: i32, %arg2: memref<131072x128xf32, #tpu.memory_space<hbm>>, %arg3: memref<131072x128xf32, #tpu.memory_space<hbm>>, %arg4: memref<32x8x128xi32, #tpu.memory_space<hbm>>, %arg5: memref<32768x128xf32, #tpu.memory_space<hbm>>, %arg6: memref<32768x128xf32, #tpu.memory_space<hbm>>, %arg7: memref<8x128xi32, #tpu.memory_space<vmem>>, %arg8: memref<128x128xf32, #tpu.memory_space<vmem>>, %arg9: memref<128x128xf32, #tpu.memory_space<vmem>>, %arg10: memref<128x128xf32, #tpu.memory_space<vmem>>, %arg11: memref<128x128xf32, #tpu.memory_space<vmem>>, %arg12: memref<128x128xf32, #tpu.memory_space<vmem>>, %arg13: memref<128x128xf32, #tpu.memory_space<vmem>>, %arg14: memref<128x128xf32, #tpu.memory_space<vmem>>, %arg15: memref<!tpu.dma_semaphore, #tpu.memory_space<semaphore_mem>>, %arg16: memref<!tpu.dma_semaphore, #tpu.memory_space<semaphore_mem>>, %arg17: memref<!tpu.dma_semaphore, #tpu.memory_space<semaphore_mem>>, %arg18: memref<!tpu.dma_semaphore, #tpu.memory_space<semaphore_mem>>, %arg19: memref<!tpu.dma_semaphore, #tpu.memory_space<semaphore_mem>>, %arg20: memref<!tpu.dma_semaphore, #tpu.memory_space<semaphore_mem>>, %arg21: memref<!tpu.dma_semaphore, #tpu.memory_space<semaphore_mem>>, %arg22: memref<!tpu.dma_semaphore, #tpu.memory_space<semaphore_mem>>, %arg23: memref<!tpu.dma_semaphore, #tpu.memory_space<semaphore_mem>>, %arg24: memref<!tpu.dma_semaphore, #tpu.memory_space<semaphore_mem>>, %arg25: memref<!tpu.dma_semaphore, #tpu.memory_space<semaphore_mem>>, %arg26: memref<!tpu.dma_semaphore, #tpu.memory_space<semaphore_mem>>, %arg27: memref<!tpu.dma_semaphore, #tpu.memory_space<semaphore_mem>>, %arg28: memref<!tpu.dma_semaphore, #tpu.memory_space<semaphore_mem>>) attributes {dimension_semantics = [#tpu.dimension_semantics<core_parallel>, #tpu.dimension_semantics<subcore_parallel>], iteration_bounds = array<i64: 2, 16>, scalar_prefetch = 0 : i64, scratch_operands = 22 : i64, tpu.core_type = #tpu.core_type<sc_vector_subcore>, window_params = [{transform_indices = #map}, {transform_indices = #map}, {transform_indices = #map1}, {transform_indices = #map}, {transform_indices = #map}]} {
    %mul3A = arith.constant 2 : i32
    %mul3A_0 = arith.muli %arg1, %mul3A : i32
    %add3A = arith.addi %mul3A_0, %arg0 : i32
    "tpu.region"() ({
      %run_scoped3A = tpu.sem_alloc : memref<!tpu.dma_semaphore, #tpu.memory_space<semaphore_mem>>
      %dma_start3A_385 = arith.constant 0 : i32
      %dma_start3A_386 = arith.constant 0 : i32
      %dma_start3A_387 = tpu.memref_slice %arg4[%add3A, %dma_start3A_385, %dma_start3A_386] : memref<32x8x128xi32, #tpu.memory_space<hbm>> -> memref<1x8x128xi32, #tpu.memory_space<hbm>>
      %dma_start3A_388 = tpu.memref_squeeze %dma_start3A_387 : memref<1x8x128xi32, #tpu.memory_space<hbm>> -> memref<8x128xi32, #tpu.memory_space<hbm>>
      %dma_start3A_389 = arith.constant 0 : i32
      %dma_start3A_390 = arith.constant 0 : i32
      %dma_start3A_391 = tpu.memref_slice %arg4[%add3A, %dma_start3A_389, %dma_start3A_390] : memref<32x8x128xi32, #tpu.memory_space<hbm>> -> memref<1x8x128xi32, #tpu.memory_space<hbm>>
      %dma_start3A_392 = tpu.memref_squeeze %dma_start3A_391 : memref<1x8x128xi32, #tpu.memory_space<hbm>> -> memref<8x128xi32, #tpu.memory_space<hbm>>
      tpu.enqueue_dma source(%dma_start3A_392 : memref<8x128xi32, #tpu.memory_space<hbm>>) target(%arg7 : memref<8x128xi32, #tpu.memory_space<vmem>>) target_semaphore(%run_scoped3A : memref<!tpu.dma_semaphore, #tpu.memory_space<semaphore_mem>>)
      %dma_wait3A_393 = arith.constant 0 : i32
      %dma_wait3A_394 = arith.constant 0 : i32
      %dma_wait3A_395 = tpu.memref_slice %arg4[%add3A, %dma_wait3A_393, %dma_wait3A_394] : memref<32x8x128xi32, #tpu.memory_space<hbm>> -> memref<1x8x128xi32, #tpu.memory_space<hbm>>
      %dma_wait3A_396 = tpu.memref_squeeze %dma_wait3A_395 : memref<1x8x128xi32, #tpu.memory_space<hbm>> -> memref<8x128xi32, #tpu.memory_space<hbm>>
      %dma_wait3A_397 = arith.constant 0 : i32
      %dma_wait3A_398 = arith.constant 0 : i32
      %dma_wait3A_399 = tpu.memref_slice %arg4[%add3A, %dma_wait3A_397, %dma_wait3A_398] : memref<32x8x128xi32, #tpu.memory_space<hbm>> -> memref<1x8x128xi32, #tpu.memory_space<hbm>>
      %dma_wait3A_400 = tpu.memref_squeeze %dma_wait3A_399 : memref<1x8x128xi32, #tpu.memory_space<hbm>> -> memref<8x128xi32, #tpu.memory_space<hbm>>
      tpu.wait_dma2 semaphore(%run_scoped3A : memref<!tpu.dma_semaphore, #tpu.memory_space<semaphore_mem>>) src(%dma_wait3A_400 : memref<8x128xi32, #tpu.memory_space<hbm>>) dst(%arg7 : memref<8x128xi32, #tpu.memory_space<vmem>>)
      tpu.yield
    }) : () -> ()
    %mul3A_1 = arith.constant 1024 : i32
    %mul3A_2 = arith.muli %add3A, %mul3A_1 : i32
    %dma_start3A = arith.constant 0 : i32
    %dma_start3A_3 = arith.constant 0 : i32
    %dma_start3A_4 = tpu.memref_slice %arg7[%dma_start3A, %dma_start3A_3] : memref<8x128xi32, #tpu.memory_space<vmem>> -> memref<1x128xi32, #tpu.memory_space<vmem>>
    %dma_start3A_5 = tpu.memref_squeeze %dma_start3A_4 : memref<1x128xi32, #tpu.memory_space<vmem>> -> memref<128xi32, #tpu.memory_space<vmem>>
    %dma_start3A_6 = arith.constant 0 : i32
    %dma_start3A_7 = arith.constant 0 : i32
    %dma_start3A_8 = tpu.memref_slice %arg2[%dma_start3A_6, %dma_start3A_7] : memref<131072x128xf32, #tpu.memory_space<hbm>> -> memref<131072x128xf32, #tpu.memory_space<hbm>>
    tpu.enqueue_indirect_dma source(%dma_start3A_8 : memref<131072x128xf32, #tpu.memory_space<hbm>>) target(%arg8 : memref<128x128xf32, #tpu.memory_space<vmem>>) offsets(%dma_start3A_5 : memref<128xi32, #tpu.memory_space<vmem>>) semaphore(%arg15 : memref<!tpu.dma_semaphore, #tpu.memory_space<semaphore_mem>>)
    %dma_start3A_9 = arith.constant 0 : i32
    %dma_start3A_10 = arith.constant 0 : i32
    %dma_start3A_11 = tpu.memref_slice %arg7[%dma_start3A_9, %dma_start3A_10] : memref<8x128xi32, #tpu.memory_space<vmem>> -> memref<1x128xi32, #tpu.memory_space<vmem>>
    %dma_start3A_12 = tpu.memref_squeeze %dma_start3A_11 : memref<1x128xi32, #tpu.memory_space<vmem>> -> memref<128xi32, #tpu.memory_space<vmem>>
    %dma_start3A_13 = arith.constant 0 : i32
    %dma_start3A_14 = arith.constant 0 : i32
    %dma_start3A_15 = tpu.memref_slice %arg3[%dma_start3A_13, %dma_start3A_14] : memref<131072x128xf32, #tpu.memory_space<hbm>> -> memref<131072x128xf32, #tpu.memory_space<hbm>>
    tpu.enqueue_indirect_dma source(%dma_start3A_15 : memref<131072x128xf32, #tpu.memory_space<hbm>>) target(%arg9 : memref<128x128xf32, #tpu.memory_space<vmem>>) offsets(%dma_start3A_12 : memref<128xi32, #tpu.memory_space<vmem>>) semaphore(%arg16 : memref<!tpu.dma_semaphore, #tpu.memory_space<semaphore_mem>>)
    %dma_start3A_16 = arith.constant 1 : i32
    %dma_start3A_17 = arith.constant 0 : i32
    %dma_start3A_18 = tpu.memref_slice %arg7[%dma_start3A_16, %dma_start3A_17] : memref<8x128xi32, #tpu.memory_space<vmem>> -> memref<1x128xi32, #tpu.memory_space<vmem>>
    %dma_start3A_19 = tpu.memref_squeeze %dma_start3A_18 : memref<1x128xi32, #tpu.memory_space<vmem>> -> memref<128xi32, #tpu.memory_space<vmem>>
    %dma_start3A_20 = arith.constant 0 : i32
    %dma_start3A_21 = arith.constant 0 : i32
    %dma_start3A_22 = tpu.memref_slice %arg2[%dma_start3A_20, %dma_start3A_21] : memref<131072x128xf32, #tpu.memory_space<hbm>> -> memref<131072x128xf32, #tpu.memory_space<hbm>>
    tpu.enqueue_indirect_dma source(%dma_start3A_22 : memref<131072x128xf32, #tpu.memory_space<hbm>>) target(%arg10 : memref<128x128xf32, #tpu.memory_space<vmem>>) offsets(%dma_start3A_19 : memref<128xi32, #tpu.memory_space<vmem>>) semaphore(%arg17 : memref<!tpu.dma_semaphore, #tpu.memory_space<semaphore_mem>>)
    %dma_start3A_23 = arith.constant 1 : i32
    %dma_start3A_24 = arith.constant 0 : i32
    %dma_start3A_25 = tpu.memref_slice %arg7[%dma_start3A_23, %dma_start3A_24] : memref<8x128xi32, #tpu.memory_space<vmem>> -> memref<1x128xi32, #tpu.memory_space<vmem>>
    %dma_start3A_26 = tpu.memref_squeeze %dma_start3A_25 : memref<1x128xi32, #tpu.memory_space<vmem>> -> memref<128xi32, #tpu.memory_space<vmem>>
    %dma_start3A_27 = arith.constant 0 : i32
    %dma_start3A_28 = arith.constant 0 : i32
    %dma_start3A_29 = tpu.memref_slice %arg3[%dma_start3A_27, %dma_start3A_28] : memref<131072x128xf32, #tpu.memory_space<hbm>> -> memref<131072x128xf32, #tpu.memory_space<hbm>>
    tpu.enqueue_indirect_dma source(%dma_start3A_29 : memref<131072x128xf32, #tpu.memory_space<hbm>>) target(%arg11 : memref<128x128xf32, #tpu.memory_space<vmem>>) offsets(%dma_start3A_26 : memref<128xi32, #tpu.memory_space<vmem>>) semaphore(%arg18 : memref<!tpu.dma_semaphore, #tpu.memory_space<semaphore_mem>>)
    %dma_start3A_30 = arith.constant 2 : i32
    %dma_start3A_31 = arith.constant 0 : i32
    %dma_start3A_32 = tpu.memref_slice %arg7[%dma_start3A_30, %dma_start3A_31] : memref<8x128xi32, #tpu.memory_space<vmem>> -> memref<1x128xi32, #tpu.memory_space<vmem>>
    %dma_start3A_33 = tpu.memref_squeeze %dma_start3A_32 : memref<1x128xi32, #tpu.memory_space<vmem>> -> memref<128xi32, #tpu.memory_space<vmem>>
    %dma_start3A_34 = arith.constant 0 : i32
    %dma_start3A_35 = arith.constant 0 : i32
    %dma_start3A_36 = tpu.memref_slice %arg2[%dma_start3A_34, %dma_start3A_35] : memref<131072x128xf32, #tpu.memory_space<hbm>> -> memref<131072x128xf32, #tpu.memory_space<hbm>>
    tpu.enqueue_indirect_dma source(%dma_start3A_36 : memref<131072x128xf32, #tpu.memory_space<hbm>>) target(%arg12 : memref<128x128xf32, #tpu.memory_space<vmem>>) offsets(%dma_start3A_33 : memref<128xi32, #tpu.memory_space<vmem>>) semaphore(%arg19 : memref<!tpu.dma_semaphore, #tpu.memory_space<semaphore_mem>>)
    %dma_start3A_37 = arith.constant 2 : i32
    %dma_start3A_38 = arith.constant 0 : i32
    %dma_start3A_39 = tpu.memref_slice %arg7[%dma_start3A_37, %dma_start3A_38] : memref<8x128xi32, #tpu.memory_space<vmem>> -> memref<1x128xi32, #tpu.memory_space<vmem>>
    %dma_start3A_40 = tpu.memref_squeeze %dma_start3A_39 : memref<1x128xi32, #tpu.memory_space<vmem>> -> memref<128xi32, #tpu.memory_space<vmem>>
    %dma_start3A_41 = arith.constant 0 : i32
    %dma_start3A_42 = arith.constant 0 : i32
    %dma_start3A_43 = tpu.memref_slice %arg3[%dma_start3A_41, %dma_start3A_42] : memref<131072x128xf32, #tpu.memory_space<hbm>> -> memref<131072x128xf32, #tpu.memory_space<hbm>>
    tpu.enqueue_indirect_dma source(%dma_start3A_43 : memref<131072x128xf32, #tpu.memory_space<hbm>>) target(%arg13 : memref<128x128xf32, #tpu.memory_space<vmem>>) offsets(%dma_start3A_40 : memref<128xi32, #tpu.memory_space<vmem>>) semaphore(%arg20 : memref<!tpu.dma_semaphore, #tpu.memory_space<semaphore_mem>>)
    %dma_wait3A = arith.constant 0 : i32
    %dma_wait3A_44 = arith.constant 0 : i32
    %dma_wait3A_45 = tpu.memref_slice %arg7[%dma_wait3A, %dma_wait3A_44] : memref<8x128xi32, #tpu.memory_space<vmem>> -> memref<1x128xi32, #tpu.memory_space<vmem>>
    %dma_wait3A_46 = tpu.memref_squeeze %dma_wait3A_45 : memref<1x128xi32, #tpu.memory_space<vmem>> -> memref<128xi32, #tpu.memory_space<vmem>>
    %dma_wait3A_47 = arith.constant 0 : i32
    %dma_wait3A_48 = arith.constant 0 : i32
    %dma_wait3A_49 = tpu.memref_slice %arg2[%dma_wait3A_47, %dma_wait3A_48] : memref<131072x128xf32, #tpu.memory_space<hbm>> -> memref<131072x128xf32, #tpu.memory_space<hbm>>
    tpu.wait_indirect_dma semaphore(%arg15 : memref<!tpu.dma_semaphore, #tpu.memory_space<semaphore_mem>>) src(%dma_wait3A_49 : memref<131072x128xf32, #tpu.memory_space<hbm>>) dst(%arg8 : memref<128x128xf32, #tpu.memory_space<vmem>>)
    %add3A_50 = arith.constant 0 : i32
    %add3A_51 = arith.addi %mul3A_2, %add3A_50 : i32
    %dma_start3A_52 = arith.constant 0 : i32
    %dma_start3A_53 = tpu.memref_slice %arg5[%add3A_51, %dma_start3A_52] : memref<32768x128xf32, #tpu.memory_space<hbm>> -> memref<128x128xf32, #tpu.memory_space<hbm>>
    %dma_start3A_54 = arith.constant 0 : i32
    %dma_start3A_55 = tpu.memref_slice %arg5[%add3A_51, %dma_start3A_54] : memref<32768x128xf32, #tpu.memory_space<hbm>> -> memref<128x128xf32, #tpu.memory_space<hbm>>
    tpu.enqueue_dma source(%arg8 : memref<128x128xf32, #tpu.memory_space<vmem>>) target(%dma_start3A_55 : memref<128x128xf32, #tpu.memory_space<hbm>>) target_semaphore(%arg22 : memref<!tpu.dma_semaphore, #tpu.memory_space<semaphore_mem>>)
    %dma_start3A_56 = arith.constant 3 : i32
    %dma_start3A_57 = arith.constant 0 : i32
    %dma_start3A_58 = tpu.memref_slice %arg7[%dma_start3A_56, %dma_start3A_57] : memref<8x128xi32, #tpu.memory_space<vmem>> -> memref<1x128xi32, #tpu.memory_space<vmem>>
    %dma_start3A_59 = tpu.memref_squeeze %dma_start3A_58 : memref<1x128xi32, #tpu.memory_space<vmem>> -> memref<128xi32, #tpu.memory_space<vmem>>
    %dma_start3A_60 = arith.constant 0 : i32
    %dma_start3A_61 = arith.constant 0 : i32
    %dma_start3A_62 = tpu.memref_slice %arg2[%dma_start3A_60, %dma_start3A_61] : memref<131072x128xf32, #tpu.memory_space<hbm>> -> memref<131072x128xf32, #tpu.memory_space<hbm>>
    tpu.enqueue_indirect_dma source(%dma_start3A_62 : memref<131072x128xf32, #tpu.memory_space<hbm>>) target(%arg14 : memref<128x128xf32, #tpu.memory_space<vmem>>) offsets(%dma_start3A_59 : memref<128xi32, #tpu.memory_space<vmem>>) semaphore(%arg21 : memref<!tpu.dma_semaphore, #tpu.memory_space<semaphore_mem>>)
    %dma_wait3A_63 = arith.constant 0 : i32
    %dma_wait3A_64 = arith.constant 0 : i32
    %dma_wait3A_65 = tpu.memref_slice %arg7[%dma_wait3A_63, %dma_wait3A_64] : memref<8x128xi32, #tpu.memory_space<vmem>> -> memref<1x128xi32, #tpu.memory_space<vmem>>
    %dma_wait3A_66 = tpu.memref_squeeze %dma_wait3A_65 : memref<1x128xi32, #tpu.memory_space<vmem>> -> memref<128xi32, #tpu.memory_space<vmem>>
    %dma_wait3A_67 = arith.constant 0 : i32
    %dma_wait3A_68 = arith.constant 0 : i32
    %dma_wait3A_69 = tpu.memref_slice %arg3[%dma_wait3A_67, %dma_wait3A_68] : memref<131072x128xf32, #tpu.memory_space<hbm>> -> memref<131072x128xf32, #tpu.memory_space<hbm>>
    tpu.wait_indirect_dma semaphore(%arg16 : memref<!tpu.dma_semaphore, #tpu.memory_space<semaphore_mem>>) src(%dma_wait3A_69 : memref<131072x128xf32, #tpu.memory_space<hbm>>) dst(%arg9 : memref<128x128xf32, #tpu.memory_space<vmem>>)
    %add3A_70 = arith.constant 0 : i32
    %add3A_71 = arith.addi %mul3A_2, %add3A_70 : i32
    %dma_start3A_72 = arith.constant 0 : i32
    %dma_start3A_73 = tpu.memref_slice %arg6[%add3A_71, %dma_start3A_72] : memref<32768x128xf32, #tpu.memory_space<hbm>> -> memref<128x128xf32, #tpu.memory_space<hbm>>
    %dma_start3A_74 = arith.constant 0 : i32
    %dma_start3A_75 = tpu.memref_slice %arg6[%add3A_71, %dma_start3A_74] : memref<32768x128xf32, #tpu.memory_space<hbm>> -> memref<128x128xf32, #tpu.memory_space<hbm>>
    tpu.enqueue_dma source(%arg9 : memref<128x128xf32, #tpu.memory_space<vmem>>) target(%dma_start3A_75 : memref<128x128xf32, #tpu.memory_space<hbm>>) target_semaphore(%arg23 : memref<!tpu.dma_semaphore, #tpu.memory_space<semaphore_mem>>)
    %dma_wait3A_76 = arith.constant 0 : i32
    %dma_wait3A_77 = tpu.memref_slice %arg5[%add3A_51, %dma_wait3A_76] : memref<32768x128xf32, #tpu.memory_space<hbm>> -> memref<128x128xf32, #tpu.memory_space<hbm>>
    %dma_wait3A_78 = arith.constant 0 : i32
    %dma_wait3A_79 = tpu.memref_slice %arg5[%add3A_51, %dma_wait3A_78] : memref<32768x128xf32, #tpu.memory_space<hbm>> -> memref<128x128xf32, #tpu.memory_space<hbm>>
    tpu.wait_dma2 semaphore(%arg22 : memref<!tpu.dma_semaphore, #tpu.memory_space<semaphore_mem>>) src(%arg8 : memref<128x128xf32, #tpu.memory_space<vmem>>) dst(%dma_wait3A_79 : memref<128x128xf32, #tpu.memory_space<hbm>>)
    %dma_start3A_80 = arith.constant 3 : i32
    %dma_start3A_81 = arith.constant 0 : i32
    %dma_start3A_82 = tpu.memref_slice %arg7[%dma_start3A_80, %dma_start3A_81] : memref<8x128xi32, #tpu.memory_space<vmem>> -> memref<1x128xi32, #tpu.memory_space<vmem>>
    %dma_start3A_83 = tpu.memref_squeeze %dma_start3A_82 : memref<1x128xi32, #tpu.memory_space<vmem>> -> memref<128xi32, #tpu.memory_space<vmem>>
    %dma_start3A_84 = arith.constant 0 : i32
    %dma_start3A_85 = arith.constant 0 : i32
    %dma_start3A_86 = tpu.memref_slice %arg3[%dma_start3A_84, %dma_start3A_85] : memref<131072x128xf32, #tpu.memory_space<hbm>> -> memref<131072x128xf32, #tpu.memory_space<hbm>>
    tpu.enqueue_indirect_dma source(%dma_start3A_86 : memref<131072x128xf32, #tpu.memory_space<hbm>>) target(%arg8 : memref<128x128xf32, #tpu.memory_space<vmem>>) offsets(%dma_start3A_83 : memref<128xi32, #tpu.memory_space<vmem>>) semaphore(%arg15 : memref<!tpu.dma_semaphore, #tpu.memory_space<semaphore_mem>>)
    %dma_wait3A_87 = arith.constant 1 : i32
    %dma_wait3A_88 = arith.constant 0 : i32
    %dma_wait3A_89 = tpu.memref_slice %arg7[%dma_wait3A_87, %dma_wait3A_88] : memref<8x128xi32, #tpu.memory_space<vmem>> -> memref<1x128xi32, #tpu.memory_space<vmem>>
    %dma_wait3A_90 = tpu.memref_squeeze %dma_wait3A_89 : memref<1x128xi32, #tpu.memory_space<vmem>> -> memref<128xi32, #tpu.memory_space<vmem>>
    %dma_wait3A_91 = arith.constant 0 : i32
    %dma_wait3A_92 = arith.constant 0 : i32
    %dma_wait3A_93 = tpu.memref_slice %arg2[%dma_wait3A_91, %dma_wait3A_92] : memref<131072x128xf32, #tpu.memory_space<hbm>> -> memref<131072x128xf32, #tpu.memory_space<hbm>>
    tpu.wait_indirect_dma semaphore(%arg17 : memref<!tpu.dma_semaphore, #tpu.memory_space<semaphore_mem>>) src(%dma_wait3A_93 : memref<131072x128xf32, #tpu.memory_space<hbm>>) dst(%arg10 : memref<128x128xf32, #tpu.memory_space<vmem>>)
    %add3A_94 = arith.constant 128 : i32
    %add3A_95 = arith.addi %mul3A_2, %add3A_94 : i32
    %dma_start3A_96 = arith.constant 0 : i32
    %dma_start3A_97 = tpu.memref_slice %arg5[%add3A_95, %dma_start3A_96] : memref<32768x128xf32, #tpu.memory_space<hbm>> -> memref<128x128xf32, #tpu.memory_space<hbm>>
    %dma_start3A_98 = arith.constant 0 : i32
    %dma_start3A_99 = tpu.memref_slice %arg5[%add3A_95, %dma_start3A_98] : memref<32768x128xf32, #tpu.memory_space<hbm>> -> memref<128x128xf32, #tpu.memory_space<hbm>>
    tpu.enqueue_dma source(%arg10 : memref<128x128xf32, #tpu.memory_space<vmem>>) target(%dma_start3A_99 : memref<128x128xf32, #tpu.memory_space<hbm>>) target_semaphore(%arg24 : memref<!tpu.dma_semaphore, #tpu.memory_space<semaphore_mem>>)
    %dma_wait3A_100 = arith.constant 0 : i32
    %dma_wait3A_101 = tpu.memref_slice %arg6[%add3A_71, %dma_wait3A_100] : memref<32768x128xf32, #tpu.memory_space<hbm>> -> memref<128x128xf32, #tpu.memory_space<hbm>>
    %dma_wait3A_102 = arith.constant 0 : i32
    %dma_wait3A_103 = tpu.memref_slice %arg6[%add3A_71, %dma_wait3A_102] : memref<32768x128xf32, #tpu.memory_space<hbm>> -> memref<128x128xf32, #tpu.memory_space<hbm>>
    tpu.wait_dma2 semaphore(%arg23 : memref<!tpu.dma_semaphore, #tpu.memory_space<semaphore_mem>>) src(%arg9 : memref<128x128xf32, #tpu.memory_space<vmem>>) dst(%dma_wait3A_103 : memref<128x128xf32, #tpu.memory_space<hbm>>)
    %dma_start3A_104 = arith.constant 4 : i32
    %dma_start3A_105 = arith.constant 0 : i32
    %dma_start3A_106 = tpu.memref_slice %arg7[%dma_start3A_104, %dma_start3A_105] : memref<8x128xi32, #tpu.memory_space<vmem>> -> memref<1x128xi32, #tpu.memory_space<vmem>>
    %dma_start3A_107 = tpu.memref_squeeze %dma_start3A_106 : memref<1x128xi32, #tpu.memory_space<vmem>> -> memref<128xi32, #tpu.memory_space<vmem>>
    %dma_start3A_108 = arith.constant 0 : i32
    %dma_start3A_109 = arith.constant 0 : i32
    %dma_start3A_110 = tpu.memref_slice %arg2[%dma_start3A_108, %dma_start3A_109] : memref<131072x128xf32, #tpu.memory_space<hbm>> -> memref<131072x128xf32, #tpu.memory_space<hbm>>
    tpu.enqueue_indirect_dma source(%dma_start3A_110 : memref<131072x128xf32, #tpu.memory_space<hbm>>) target(%arg9 : memref<128x128xf32, #tpu.memory_space<vmem>>) offsets(%dma_start3A_107 : memref<128xi32, #tpu.memory_space<vmem>>) semaphore(%arg16 : memref<!tpu.dma_semaphore, #tpu.memory_space<semaphore_mem>>)
    %dma_wait3A_111 = arith.constant 1 : i32
    %dma_wait3A_112 = arith.constant 0 : i32
    %dma_wait3A_113 = tpu.memref_slice %arg7[%dma_wait3A_111, %dma_wait3A_112] : memref<8x128xi32, #tpu.memory_space<vmem>> -> memref<1x128xi32, #tpu.memory_space<vmem>>
    %dma_wait3A_114 = tpu.memref_squeeze %dma_wait3A_113 : memref<1x128xi32, #tpu.memory_space<vmem>> -> memref<128xi32, #tpu.memory_space<vmem>>
    %dma_wait3A_115 = arith.constant 0 : i32
    %dma_wait3A_116 = arith.constant 0 : i32
    %dma_wait3A_117 = tpu.memref_slice %arg3[%dma_wait3A_115, %dma_wait3A_116] : memref<131072x128xf32, #tpu.memory_space<hbm>> -> memref<131072x128xf32, #tpu.memory_space<hbm>>
    tpu.wait_indirect_dma semaphore(%arg18 : memref<!tpu.dma_semaphore, #tpu.memory_space<semaphore_mem>>) src(%dma_wait3A_117 : memref<131072x128xf32, #tpu.memory_space<hbm>>) dst(%arg11 : memref<128x128xf32, #tpu.memory_space<vmem>>)
    %add3A_118 = arith.constant 128 : i32
    %add3A_119 = arith.addi %mul3A_2, %add3A_118 : i32
    %dma_start3A_120 = arith.constant 0 : i32
    %dma_start3A_121 = tpu.memref_slice %arg6[%add3A_119, %dma_start3A_120] : memref<32768x128xf32, #tpu.memory_space<hbm>> -> memref<128x128xf32, #tpu.memory_space<hbm>>
    %dma_start3A_122 = arith.constant 0 : i32
    %dma_start3A_123 = tpu.memref_slice %arg6[%add3A_119, %dma_start3A_122] : memref<32768x128xf32, #tpu.memory_space<hbm>> -> memref<128x128xf32, #tpu.memory_space<hbm>>
    tpu.enqueue_dma source(%arg11 : memref<128x128xf32, #tpu.memory_space<vmem>>) target(%dma_start3A_123 : memref<128x128xf32, #tpu.memory_space<hbm>>) target_semaphore(%arg25 : memref<!tpu.dma_semaphore, #tpu.memory_space<semaphore_mem>>)
    %dma_wait3A_124 = arith.constant 0 : i32
    %dma_wait3A_125 = tpu.memref_slice %arg5[%add3A_95, %dma_wait3A_124] : memref<32768x128xf32, #tpu.memory_space<hbm>> -> memref<128x128xf32, #tpu.memory_space<hbm>>
    %dma_wait3A_126 = arith.constant 0 : i32
    %dma_wait3A_127 = tpu.memref_slice %arg5[%add3A_95, %dma_wait3A_126] : memref<32768x128xf32, #tpu.memory_space<hbm>> -> memref<128x128xf32, #tpu.memory_space<hbm>>
    tpu.wait_dma2 semaphore(%arg24 : memref<!tpu.dma_semaphore, #tpu.memory_space<semaphore_mem>>) src(%arg10 : memref<128x128xf32, #tpu.memory_space<vmem>>) dst(%dma_wait3A_127 : memref<128x128xf32, #tpu.memory_space<hbm>>)
    %dma_start3A_128 = arith.constant 4 : i32
    %dma_start3A_129 = arith.constant 0 : i32
    %dma_start3A_130 = tpu.memref_slice %arg7[%dma_start3A_128, %dma_start3A_129] : memref<8x128xi32, #tpu.memory_space<vmem>> -> memref<1x128xi32, #tpu.memory_space<vmem>>
    %dma_start3A_131 = tpu.memref_squeeze %dma_start3A_130 : memref<1x128xi32, #tpu.memory_space<vmem>> -> memref<128xi32, #tpu.memory_space<vmem>>
    %dma_start3A_132 = arith.constant 0 : i32
    %dma_start3A_133 = arith.constant 0 : i32
    %dma_start3A_134 = tpu.memref_slice %arg3[%dma_start3A_132, %dma_start3A_133] : memref<131072x128xf32, #tpu.memory_space<hbm>> -> memref<131072x128xf32, #tpu.memory_space<hbm>>
    tpu.enqueue_indirect_dma source(%dma_start3A_134 : memref<131072x128xf32, #tpu.memory_space<hbm>>) target(%arg10 : memref<128x128xf32, #tpu.memory_space<vmem>>) offsets(%dma_start3A_131 : memref<128xi32, #tpu.memory_space<vmem>>) semaphore(%arg17 : memref<!tpu.dma_semaphore, #tpu.memory_space<semaphore_mem>>)
    %dma_wait3A_135 = arith.constant 2 : i32
    %dma_wait3A_136 = arith.constant 0 : i32
    %dma_wait3A_137 = tpu.memref_slice %arg7[%dma_wait3A_135, %dma_wait3A_136] : memref<8x128xi32, #tpu.memory_space<vmem>> -> memref<1x128xi32, #tpu.memory_space<vmem>>
    %dma_wait3A_138 = tpu.memref_squeeze %dma_wait3A_137 : memref<1x128xi32, #tpu.memory_space<vmem>> -> memref<128xi32, #tpu.memory_space<vmem>>
    %dma_wait3A_139 = arith.constant 0 : i32
    %dma_wait3A_140 = arith.constant 0 : i32
    %dma_wait3A_141 = tpu.memref_slice %arg2[%dma_wait3A_139, %dma_wait3A_140] : memref<131072x128xf32, #tpu.memory_space<hbm>> -> memref<131072x128xf32, #tpu.memory_space<hbm>>
    tpu.wait_indirect_dma semaphore(%arg19 : memref<!tpu.dma_semaphore, #tpu.memory_space<semaphore_mem>>) src(%dma_wait3A_141 : memref<131072x128xf32, #tpu.memory_space<hbm>>) dst(%arg12 : memref<128x128xf32, #tpu.memory_space<vmem>>)
    %add3A_142 = arith.constant 256 : i32
    %add3A_143 = arith.addi %mul3A_2, %add3A_142 : i32
    %dma_start3A_144 = arith.constant 0 : i32
    %dma_start3A_145 = tpu.memref_slice %arg5[%add3A_143, %dma_start3A_144] : memref<32768x128xf32, #tpu.memory_space<hbm>> -> memref<128x128xf32, #tpu.memory_space<hbm>>
    %dma_start3A_146 = arith.constant 0 : i32
    %dma_start3A_147 = tpu.memref_slice %arg5[%add3A_143, %dma_start3A_146] : memref<32768x128xf32, #tpu.memory_space<hbm>> -> memref<128x128xf32, #tpu.memory_space<hbm>>
    tpu.enqueue_dma source(%arg12 : memref<128x128xf32, #tpu.memory_space<vmem>>) target(%dma_start3A_147 : memref<128x128xf32, #tpu.memory_space<hbm>>) target_semaphore(%arg26 : memref<!tpu.dma_semaphore, #tpu.memory_space<semaphore_mem>>)
    %dma_wait3A_148 = arith.constant 0 : i32
    %dma_wait3A_149 = tpu.memref_slice %arg6[%add3A_119, %dma_wait3A_148] : memref<32768x128xf32, #tpu.memory_space<hbm>> -> memref<128x128xf32, #tpu.memory_space<hbm>>
    %dma_wait3A_150 = arith.constant 0 : i32
    %dma_wait3A_151 = tpu.memref_slice %arg6[%add3A_119, %dma_wait3A_150] : memref<32768x128xf32, #tpu.memory_space<hbm>> -> memref<128x128xf32, #tpu.memory_space<hbm>>
    tpu.wait_dma2 semaphore(%arg25 : memref<!tpu.dma_semaphore, #tpu.memory_space<semaphore_mem>>) src(%arg11 : memref<128x128xf32, #tpu.memory_space<vmem>>) dst(%dma_wait3A_151 : memref<128x128xf32, #tpu.memory_space<hbm>>)
    %dma_start3A_152 = arith.constant 5 : i32
    %dma_start3A_153 = arith.constant 0 : i32
    %dma_start3A_154 = tpu.memref_slice %arg7[%dma_start3A_152, %dma_start3A_153] : memref<8x128xi32, #tpu.memory_space<vmem>> -> memref<1x128xi32, #tpu.memory_space<vmem>>
    %dma_start3A_155 = tpu.memref_squeeze %dma_start3A_154 : memref<1x128xi32, #tpu.memory_space<vmem>> -> memref<128xi32, #tpu.memory_space<vmem>>
    %dma_start3A_156 = arith.constant 0 : i32
    %dma_start3A_157 = arith.constant 0 : i32
    %dma_start3A_158 = tpu.memref_slice %arg2[%dma_start3A_156, %dma_start3A_157] : memref<131072x128xf32, #tpu.memory_space<hbm>> -> memref<131072x128xf32, #tpu.memory_space<hbm>>
    tpu.enqueue_indirect_dma source(%dma_start3A_158 : memref<131072x128xf32, #tpu.memory_space<hbm>>) target(%arg11 : memref<128x128xf32, #tpu.memory_space<vmem>>) offsets(%dma_start3A_155 : memref<128xi32, #tpu.memory_space<vmem>>) semaphore(%arg18 : memref<!tpu.dma_semaphore, #tpu.memory_space<semaphore_mem>>)
    %dma_wait3A_159 = arith.constant 2 : i32
    %dma_wait3A_160 = arith.constant 0 : i32
    %dma_wait3A_161 = tpu.memref_slice %arg7[%dma_wait3A_159, %dma_wait3A_160] : memref<8x128xi32, #tpu.memory_space<vmem>> -> memref<1x128xi32, #tpu.memory_space<vmem>>
    %dma_wait3A_162 = tpu.memref_squeeze %dma_wait3A_161 : memref<1x128xi32, #tpu.memory_space<vmem>> -> memref<128xi32, #tpu.memory_space<vmem>>
    %dma_wait3A_163 = arith.constant 0 : i32
    %dma_wait3A_164 = arith.constant 0 : i32
    %dma_wait3A_165 = tpu.memref_slice %arg3[%dma_wait3A_163, %dma_wait3A_164] : memref<131072x128xf32, #tpu.memory_space<hbm>> -> memref<131072x128xf32, #tpu.memory_space<hbm>>
    tpu.wait_indirect_dma semaphore(%arg20 : memref<!tpu.dma_semaphore, #tpu.memory_space<semaphore_mem>>) src(%dma_wait3A_165 : memref<131072x128xf32, #tpu.memory_space<hbm>>) dst(%arg13 : memref<128x128xf32, #tpu.memory_space<vmem>>)
    %add3A_166 = arith.constant 256 : i32
    %add3A_167 = arith.addi %mul3A_2, %add3A_166 : i32
    %dma_start3A_168 = arith.constant 0 : i32
    %dma_start3A_169 = tpu.memref_slice %arg6[%add3A_167, %dma_start3A_168] : memref<32768x128xf32, #tpu.memory_space<hbm>> -> memref<128x128xf32, #tpu.memory_space<hbm>>
    %dma_start3A_170 = arith.constant 0 : i32
    %dma_start3A_171 = tpu.memref_slice %arg6[%add3A_167, %dma_start3A_170] : memref<32768x128xf32, #tpu.memory_space<hbm>> -> memref<128x128xf32, #tpu.memory_space<hbm>>
    tpu.enqueue_dma source(%arg13 : memref<128x128xf32, #tpu.memory_space<vmem>>) target(%dma_start3A_171 : memref<128x128xf32, #tpu.memory_space<hbm>>) target_semaphore(%arg27 : memref<!tpu.dma_semaphore, #tpu.memory_space<semaphore_mem>>)
    %dma_wait3A_172 = arith.constant 0 : i32
    %dma_wait3A_173 = tpu.memref_slice %arg5[%add3A_143, %dma_wait3A_172] : memref<32768x128xf32, #tpu.memory_space<hbm>> -> memref<128x128xf32, #tpu.memory_space<hbm>>
    %dma_wait3A_174 = arith.constant 0 : i32
    %dma_wait3A_175 = tpu.memref_slice %arg5[%add3A_143, %dma_wait3A_174] : memref<32768x128xf32, #tpu.memory_space<hbm>> -> memref<128x128xf32, #tpu.memory_space<hbm>>
    tpu.wait_dma2 semaphore(%arg26 : memref<!tpu.dma_semaphore, #tpu.memory_space<semaphore_mem>>) src(%arg12 : memref<128x128xf32, #tpu.memory_space<vmem>>) dst(%dma_wait3A_175 : memref<128x128xf32, #tpu.memory_space<hbm>>)
    %dma_start3A_176 = arith.constant 5 : i32
    %dma_start3A_177 = arith.constant 0 : i32
    %dma_start3A_178 = tpu.memref_slice %arg7[%dma_start3A_176, %dma_start3A_177] : memref<8x128xi32, #tpu.memory_space<vmem>> -> memref<1x128xi32, #tpu.memory_space<vmem>>
    %dma_start3A_179 = tpu.memref_squeeze %dma_start3A_178 : memref<1x128xi32, #tpu.memory_space<vmem>> -> memref<128xi32, #tpu.memory_space<vmem>>
    %dma_start3A_180 = arith.constant 0 : i32
    %dma_start3A_181 = arith.constant 0 : i32
    %dma_start3A_182 = tpu.memref_slice %arg3[%dma_start3A_180, %dma_start3A_181] : memref<131072x128xf32, #tpu.memory_space<hbm>> -> memref<131072x128xf32, #tpu.memory_space<hbm>>
    tpu.enqueue_indirect_dma source(%dma_start3A_182 : memref<131072x128xf32, #tpu.memory_space<hbm>>) target(%arg12 : memref<128x128xf32, #tpu.memory_space<vmem>>) offsets(%dma_start3A_179 : memref<128xi32, #tpu.memory_space<vmem>>) semaphore(%arg19 : memref<!tpu.dma_semaphore, #tpu.memory_space<semaphore_mem>>)
    %dma_wait3A_183 = arith.constant 3 : i32
    %dma_wait3A_184 = arith.constant 0 : i32
    %dma_wait3A_185 = tpu.memref_slice %arg7[%dma_wait3A_183, %dma_wait3A_184] : memref<8x128xi32, #tpu.memory_space<vmem>> -> memref<1x128xi32, #tpu.memory_space<vmem>>
    %dma_wait3A_186 = tpu.memref_squeeze %dma_wait3A_185 : memref<1x128xi32, #tpu.memory_space<vmem>> -> memref<128xi32, #tpu.memory_space<vmem>>
    %dma_wait3A_187 = arith.constant 0 : i32
    %dma_wait3A_188 = arith.constant 0 : i32
    %dma_wait3A_189 = tpu.memref_slice %arg2[%dma_wait3A_187, %dma_wait3A_188] : memref<131072x128xf32, #tpu.memory_space<hbm>> -> memref<131072x128xf32, #tpu.memory_space<hbm>>
    tpu.wait_indirect_dma semaphore(%arg21 : memref<!tpu.dma_semaphore, #tpu.memory_space<semaphore_mem>>) src(%dma_wait3A_189 : memref<131072x128xf32, #tpu.memory_space<hbm>>) dst(%arg14 : memref<128x128xf32, #tpu.memory_space<vmem>>)
    %add3A_190 = arith.constant 384 : i32
    %add3A_191 = arith.addi %mul3A_2, %add3A_190 : i32
    %dma_start3A_192 = arith.constant 0 : i32
    %dma_start3A_193 = tpu.memref_slice %arg5[%add3A_191, %dma_start3A_192] : memref<32768x128xf32, #tpu.memory_space<hbm>> -> memref<128x128xf32, #tpu.memory_space<hbm>>
    %dma_start3A_194 = arith.constant 0 : i32
    %dma_start3A_195 = tpu.memref_slice %arg5[%add3A_191, %dma_start3A_194] : memref<32768x128xf32, #tpu.memory_space<hbm>> -> memref<128x128xf32, #tpu.memory_space<hbm>>
    tpu.enqueue_dma source(%arg14 : memref<128x128xf32, #tpu.memory_space<vmem>>) target(%dma_start3A_195 : memref<128x128xf32, #tpu.memory_space<hbm>>) target_semaphore(%arg28 : memref<!tpu.dma_semaphore, #tpu.memory_space<semaphore_mem>>)
    %dma_wait3A_196 = arith.constant 0 : i32
    %dma_wait3A_197 = tpu.memref_slice %arg6[%add3A_167, %dma_wait3A_196] : memref<32768x128xf32, #tpu.memory_space<hbm>> -> memref<128x128xf32, #tpu.memory_space<hbm>>
    %dma_wait3A_198 = arith.constant 0 : i32
    %dma_wait3A_199 = tpu.memref_slice %arg6[%add3A_167, %dma_wait3A_198] : memref<32768x128xf32, #tpu.memory_space<hbm>> -> memref<128x128xf32, #tpu.memory_space<hbm>>
    tpu.wait_dma2 semaphore(%arg27 : memref<!tpu.dma_semaphore, #tpu.memory_space<semaphore_mem>>) src(%arg13 : memref<128x128xf32, #tpu.memory_space<vmem>>) dst(%dma_wait3A_199 : memref<128x128xf32, #tpu.memory_space<hbm>>)
    %dma_start3A_200 = arith.constant 6 : i32
    %dma_start3A_201 = arith.constant 0 : i32
    %dma_start3A_202 = tpu.memref_slice %arg7[%dma_start3A_200, %dma_start3A_201] : memref<8x128xi32, #tpu.memory_space<vmem>> -> memref<1x128xi32, #tpu.memory_space<vmem>>
    %dma_start3A_203 = tpu.memref_squeeze %dma_start3A_202 : memref<1x128xi32, #tpu.memory_space<vmem>> -> memref<128xi32, #tpu.memory_space<vmem>>
    %dma_start3A_204 = arith.constant 0 : i32
    %dma_start3A_205 = arith.constant 0 : i32
    %dma_start3A_206 = tpu.memref_slice %arg2[%dma_start3A_204, %dma_start3A_205] : memref<131072x128xf32, #tpu.memory_space<hbm>> -> memref<131072x128xf32, #tpu.memory_space<hbm>>
    tpu.enqueue_indirect_dma source(%dma_start3A_206 : memref<131072x128xf32, #tpu.memory_space<hbm>>) target(%arg13 : memref<128x128xf32, #tpu.memory_space<vmem>>) offsets(%dma_start3A_203 : memref<128xi32, #tpu.memory_space<vmem>>) semaphore(%arg20 : memref<!tpu.dma_semaphore, #tpu.memory_space<semaphore_mem>>)
    %dma_wait3A_207 = arith.constant 3 : i32
    %dma_wait3A_208 = arith.constant 0 : i32
    %dma_wait3A_209 = tpu.memref_slice %arg7[%dma_wait3A_207, %dma_wait3A_208] : memref<8x128xi32, #tpu.memory_space<vmem>> -> memref<1x128xi32, #tpu.memory_space<vmem>>
    %dma_wait3A_210 = tpu.memref_squeeze %dma_wait3A_209 : memref<1x128xi32, #tpu.memory_space<vmem>> -> memref<128xi32, #tpu.memory_space<vmem>>
    %dma_wait3A_211 = arith.constant 0 : i32
    %dma_wait3A_212 = arith.constant 0 : i32
    %dma_wait3A_213 = tpu.memref_slice %arg3[%dma_wait3A_211, %dma_wait3A_212] : memref<131072x128xf32, #tpu.memory_space<hbm>> -> memref<131072x128xf32, #tpu.memory_space<hbm>>
    tpu.wait_indirect_dma semaphore(%arg15 : memref<!tpu.dma_semaphore, #tpu.memory_space<semaphore_mem>>) src(%dma_wait3A_213 : memref<131072x128xf32, #tpu.memory_space<hbm>>) dst(%arg8 : memref<128x128xf32, #tpu.memory_space<vmem>>)
    %add3A_214 = arith.constant 384 : i32
    %add3A_215 = arith.addi %mul3A_2, %add3A_214 : i32
    %dma_start3A_216 = arith.constant 0 : i32
    %dma_start3A_217 = tpu.memref_slice %arg6[%add3A_215, %dma_start3A_216] : memref<32768x128xf32, #tpu.memory_space<hbm>> -> memref<128x128xf32, #tpu.memory_space<hbm>>
    %dma_start3A_218 = arith.constant 0 : i32
    %dma_start3A_219 = tpu.memref_slice %arg6[%add3A_215, %dma_start3A_218] : memref<32768x128xf32, #tpu.memory_space<hbm>> -> memref<128x128xf32, #tpu.memory_space<hbm>>
    tpu.enqueue_dma source(%arg8 : memref<128x128xf32, #tpu.memory_space<vmem>>) target(%dma_start3A_219 : memref<128x128xf32, #tpu.memory_space<hbm>>) target_semaphore(%arg22 : memref<!tpu.dma_semaphore, #tpu.memory_space<semaphore_mem>>)
    %dma_wait3A_220 = arith.constant 0 : i32
    %dma_wait3A_221 = tpu.memref_slice %arg5[%add3A_191, %dma_wait3A_220] : memref<32768x128xf32, #tpu.memory_space<hbm>> -> memref<128x128xf32, #tpu.memory_space<hbm>>
    %dma_wait3A_222 = arith.constant 0 : i32
    %dma_wait3A_223 = tpu.memref_slice %arg5[%add3A_191, %dma_wait3A_222] : memref<32768x128xf32, #tpu.memory_space<hbm>> -> memref<128x128xf32, #tpu.memory_space<hbm>>
    tpu.wait_dma2 semaphore(%arg28 : memref<!tpu.dma_semaphore, #tpu.memory_space<semaphore_mem>>) src(%arg14 : memref<128x128xf32, #tpu.memory_space<vmem>>) dst(%dma_wait3A_223 : memref<128x128xf32, #tpu.memory_space<hbm>>)
    %dma_start3A_224 = arith.constant 6 : i32
    %dma_start3A_225 = arith.constant 0 : i32
    %dma_start3A_226 = tpu.memref_slice %arg7[%dma_start3A_224, %dma_start3A_225] : memref<8x128xi32, #tpu.memory_space<vmem>> -> memref<1x128xi32, #tpu.memory_space<vmem>>
    %dma_start3A_227 = tpu.memref_squeeze %dma_start3A_226 : memref<1x128xi32, #tpu.memory_space<vmem>> -> memref<128xi32, #tpu.memory_space<vmem>>
    %dma_start3A_228 = arith.constant 0 : i32
    %dma_start3A_229 = arith.constant 0 : i32
    %dma_start3A_230 = tpu.memref_slice %arg3[%dma_start3A_228, %dma_start3A_229] : memref<131072x128xf32, #tpu.memory_space<hbm>> -> memref<131072x128xf32, #tpu.memory_space<hbm>>
    tpu.enqueue_indirect_dma source(%dma_start3A_230 : memref<131072x128xf32, #tpu.memory_space<hbm>>) target(%arg14 : memref<128x128xf32, #tpu.memory_space<vmem>>) offsets(%dma_start3A_227 : memref<128xi32, #tpu.memory_space<vmem>>) semaphore(%arg21 : memref<!tpu.dma_semaphore, #tpu.memory_space<semaphore_mem>>)
    %dma_wait3A_231 = arith.constant 4 : i32
    %dma_wait3A_232 = arith.constant 0 : i32
    %dma_wait3A_233 = tpu.memref_slice %arg7[%dma_wait3A_231, %dma_wait3A_232] : memref<8x128xi32, #tpu.memory_space<vmem>> -> memref<1x128xi32, #tpu.memory_space<vmem>>
    %dma_wait3A_234 = tpu.memref_squeeze %dma_wait3A_233 : memref<1x128xi32, #tpu.memory_space<vmem>> -> memref<128xi32, #tpu.memory_space<vmem>>
    %dma_wait3A_235 = arith.constant 0 : i32
    %dma_wait3A_236 = arith.constant 0 : i32
    %dma_wait3A_237 = tpu.memref_slice %arg2[%dma_wait3A_235, %dma_wait3A_236] : memref<131072x128xf32, #tpu.memory_space<hbm>> -> memref<131072x128xf32, #tpu.memory_space<hbm>>
    tpu.wait_indirect_dma semaphore(%arg16 : memref<!tpu.dma_semaphore, #tpu.memory_space<semaphore_mem>>) src(%dma_wait3A_237 : memref<131072x128xf32, #tpu.memory_space<hbm>>) dst(%arg9 : memref<128x128xf32, #tpu.memory_space<vmem>>)
    %add3A_238 = arith.constant 512 : i32
    %add3A_239 = arith.addi %mul3A_2, %add3A_238 : i32
    %dma_start3A_240 = arith.constant 0 : i32
    %dma_start3A_241 = tpu.memref_slice %arg5[%add3A_239, %dma_start3A_240] : memref<32768x128xf32, #tpu.memory_space<hbm>> -> memref<128x128xf32, #tpu.memory_space<hbm>>
    %dma_start3A_242 = arith.constant 0 : i32
    %dma_start3A_243 = tpu.memref_slice %arg5[%add3A_239, %dma_start3A_242] : memref<32768x128xf32, #tpu.memory_space<hbm>> -> memref<128x128xf32, #tpu.memory_space<hbm>>
    tpu.enqueue_dma source(%arg9 : memref<128x128xf32, #tpu.memory_space<vmem>>) target(%dma_start3A_243 : memref<128x128xf32, #tpu.memory_space<hbm>>) target_semaphore(%arg23 : memref<!tpu.dma_semaphore, #tpu.memory_space<semaphore_mem>>)
    %dma_wait3A_244 = arith.constant 0 : i32
    %dma_wait3A_245 = tpu.memref_slice %arg6[%add3A_215, %dma_wait3A_244] : memref<32768x128xf32, #tpu.memory_space<hbm>> -> memref<128x128xf32, #tpu.memory_space<hbm>>
    %dma_wait3A_246 = arith.constant 0 : i32
    %dma_wait3A_247 = tpu.memref_slice %arg6[%add3A_215, %dma_wait3A_246] : memref<32768x128xf32, #tpu.memory_space<hbm>> -> memref<128x128xf32, #tpu.memory_space<hbm>>
    tpu.wait_dma2 semaphore(%arg22 : memref<!tpu.dma_semaphore, #tpu.memory_space<semaphore_mem>>) src(%arg8 : memref<128x128xf32, #tpu.memory_space<vmem>>) dst(%dma_wait3A_247 : memref<128x128xf32, #tpu.memory_space<hbm>>)
    %dma_start3A_248 = arith.constant 7 : i32
    %dma_start3A_249 = arith.constant 0 : i32
    %dma_start3A_250 = tpu.memref_slice %arg7[%dma_start3A_248, %dma_start3A_249] : memref<8x128xi32, #tpu.memory_space<vmem>> -> memref<1x128xi32, #tpu.memory_space<vmem>>
    %dma_start3A_251 = tpu.memref_squeeze %dma_start3A_250 : memref<1x128xi32, #tpu.memory_space<vmem>> -> memref<128xi32, #tpu.memory_space<vmem>>
    %dma_start3A_252 = arith.constant 0 : i32
    %dma_start3A_253 = arith.constant 0 : i32
    %dma_start3A_254 = tpu.memref_slice %arg2[%dma_start3A_252, %dma_start3A_253] : memref<131072x128xf32, #tpu.memory_space<hbm>> -> memref<131072x128xf32, #tpu.memory_space<hbm>>
    tpu.enqueue_indirect_dma source(%dma_start3A_254 : memref<131072x128xf32, #tpu.memory_space<hbm>>) target(%arg8 : memref<128x128xf32, #tpu.memory_space<vmem>>) offsets(%dma_start3A_251 : memref<128xi32, #tpu.memory_space<vmem>>) semaphore(%arg15 : memref<!tpu.dma_semaphore, #tpu.memory_space<semaphore_mem>>)
    %dma_wait3A_255 = arith.constant 4 : i32
    %dma_wait3A_256 = arith.constant 0 : i32
    %dma_wait3A_257 = tpu.memref_slice %arg7[%dma_wait3A_255, %dma_wait3A_256] : memref<8x128xi32, #tpu.memory_space<vmem>> -> memref<1x128xi32, #tpu.memory_space<vmem>>
    %dma_wait3A_258 = tpu.memref_squeeze %dma_wait3A_257 : memref<1x128xi32, #tpu.memory_space<vmem>> -> memref<128xi32, #tpu.memory_space<vmem>>
    %dma_wait3A_259 = arith.constant 0 : i32
    %dma_wait3A_260 = arith.constant 0 : i32
    %dma_wait3A_261 = tpu.memref_slice %arg3[%dma_wait3A_259, %dma_wait3A_260] : memref<131072x128xf32, #tpu.memory_space<hbm>> -> memref<131072x128xf32, #tpu.memory_space<hbm>>
    tpu.wait_indirect_dma semaphore(%arg17 : memref<!tpu.dma_semaphore, #tpu.memory_space<semaphore_mem>>) src(%dma_wait3A_261 : memref<131072x128xf32, #tpu.memory_space<hbm>>) dst(%arg10 : memref<128x128xf32, #tpu.memory_space<vmem>>)
    %add3A_262 = arith.constant 512 : i32
    %add3A_263 = arith.addi %mul3A_2, %add3A_262 : i32
    %dma_start3A_264 = arith.constant 0 : i32
    %dma_start3A_265 = tpu.memref_slice %arg6[%add3A_263, %dma_start3A_264] : memref<32768x128xf32, #tpu.memory_space<hbm>> -> memref<128x128xf32, #tpu.memory_space<hbm>>
    %dma_start3A_266 = arith.constant 0 : i32
    %dma_start3A_267 = tpu.memref_slice %arg6[%add3A_263, %dma_start3A_266] : memref<32768x128xf32, #tpu.memory_space<hbm>> -> memref<128x128xf32, #tpu.memory_space<hbm>>
    tpu.enqueue_dma source(%arg10 : memref<128x128xf32, #tpu.memory_space<vmem>>) target(%dma_start3A_267 : memref<128x128xf32, #tpu.memory_space<hbm>>) target_semaphore(%arg24 : memref<!tpu.dma_semaphore, #tpu.memory_space<semaphore_mem>>)
    %dma_wait3A_268 = arith.constant 0 : i32
    %dma_wait3A_269 = tpu.memref_slice %arg5[%add3A_239, %dma_wait3A_268] : memref<32768x128xf32, #tpu.memory_space<hbm>> -> memref<128x128xf32, #tpu.memory_space<hbm>>
    %dma_wait3A_270 = arith.constant 0 : i32
    %dma_wait3A_271 = tpu.memref_slice %arg5[%add3A_239, %dma_wait3A_270] : memref<32768x128xf32, #tpu.memory_space<hbm>> -> memref<128x128xf32, #tpu.memory_space<hbm>>
    tpu.wait_dma2 semaphore(%arg23 : memref<!tpu.dma_semaphore, #tpu.memory_space<semaphore_mem>>) src(%arg9 : memref<128x128xf32, #tpu.memory_space<vmem>>) dst(%dma_wait3A_271 : memref<128x128xf32, #tpu.memory_space<hbm>>)
    %dma_start3A_272 = arith.constant 7 : i32
    %dma_start3A_273 = arith.constant 0 : i32
    %dma_start3A_274 = tpu.memref_slice %arg7[%dma_start3A_272, %dma_start3A_273] : memref<8x128xi32, #tpu.memory_space<vmem>> -> memref<1x128xi32, #tpu.memory_space<vmem>>
    %dma_start3A_275 = tpu.memref_squeeze %dma_start3A_274 : memref<1x128xi32, #tpu.memory_space<vmem>> -> memref<128xi32, #tpu.memory_space<vmem>>
    %dma_start3A_276 = arith.constant 0 : i32
    %dma_start3A_277 = arith.constant 0 : i32
    %dma_start3A_278 = tpu.memref_slice %arg3[%dma_start3A_276, %dma_start3A_277] : memref<131072x128xf32, #tpu.memory_space<hbm>> -> memref<131072x128xf32, #tpu.memory_space<hbm>>
    tpu.enqueue_indirect_dma source(%dma_start3A_278 : memref<131072x128xf32, #tpu.memory_space<hbm>>) target(%arg9 : memref<128x128xf32, #tpu.memory_space<vmem>>) offsets(%dma_start3A_275 : memref<128xi32, #tpu.memory_space<vmem>>) semaphore(%arg16 : memref<!tpu.dma_semaphore, #tpu.memory_space<semaphore_mem>>)
    %dma_wait3A_279 = arith.constant 5 : i32
    %dma_wait3A_280 = arith.constant 0 : i32
    %dma_wait3A_281 = tpu.memref_slice %arg7[%dma_wait3A_279, %dma_wait3A_280] : memref<8x128xi32, #tpu.memory_space<vmem>> -> memref<1x128xi32, #tpu.memory_space<vmem>>
    %dma_wait3A_282 = tpu.memref_squeeze %dma_wait3A_281 : memref<1x128xi32, #tpu.memory_space<vmem>> -> memref<128xi32, #tpu.memory_space<vmem>>
    %dma_wait3A_283 = arith.constant 0 : i32
    %dma_wait3A_284 = arith.constant 0 : i32
    %dma_wait3A_285 = tpu.memref_slice %arg2[%dma_wait3A_283, %dma_wait3A_284] : memref<131072x128xf32, #tpu.memory_space<hbm>> -> memref<131072x128xf32, #tpu.memory_space<hbm>>
    tpu.wait_indirect_dma semaphore(%arg18 : memref<!tpu.dma_semaphore, #tpu.memory_space<semaphore_mem>>) src(%dma_wait3A_285 : memref<131072x128xf32, #tpu.memory_space<hbm>>) dst(%arg11 : memref<128x128xf32, #tpu.memory_space<vmem>>)
    %add3A_286 = arith.constant 640 : i32
    %add3A_287 = arith.addi %mul3A_2, %add3A_286 : i32
    %dma_start3A_288 = arith.constant 0 : i32
    %dma_start3A_289 = tpu.memref_slice %arg5[%add3A_287, %dma_start3A_288] : memref<32768x128xf32, #tpu.memory_space<hbm>> -> memref<128x128xf32, #tpu.memory_space<hbm>>
    %dma_start3A_290 = arith.constant 0 : i32
    %dma_start3A_291 = tpu.memref_slice %arg5[%add3A_287, %dma_start3A_290] : memref<32768x128xf32, #tpu.memory_space<hbm>> -> memref<128x128xf32, #tpu.memory_space<hbm>>
    tpu.enqueue_dma source(%arg11 : memref<128x128xf32, #tpu.memory_space<vmem>>) target(%dma_start3A_291 : memref<128x128xf32, #tpu.memory_space<hbm>>) target_semaphore(%arg25 : memref<!tpu.dma_semaphore, #tpu.memory_space<semaphore_mem>>)
    %dma_wait3A_292 = arith.constant 5 : i32
    %dma_wait3A_293 = arith.constant 0 : i32
    %dma_wait3A_294 = tpu.memref_slice %arg7[%dma_wait3A_292, %dma_wait3A_293] : memref<8x128xi32, #tpu.memory_space<vmem>> -> memref<1x128xi32, #tpu.memory_space<vmem>>
    %dma_wait3A_295 = tpu.memref_squeeze %dma_wait3A_294 : memref<1x128xi32, #tpu.memory_space<vmem>> -> memref<128xi32, #tpu.memory_space<vmem>>
    %dma_wait3A_296 = arith.constant 0 : i32
    %dma_wait3A_297 = arith.constant 0 : i32
    %dma_wait3A_298 = tpu.memref_slice %arg3[%dma_wait3A_296, %dma_wait3A_297] : memref<131072x128xf32, #tpu.memory_space<hbm>> -> memref<131072x128xf32, #tpu.memory_space<hbm>>
    tpu.wait_indirect_dma semaphore(%arg19 : memref<!tpu.dma_semaphore, #tpu.memory_space<semaphore_mem>>) src(%dma_wait3A_298 : memref<131072x128xf32, #tpu.memory_space<hbm>>) dst(%arg12 : memref<128x128xf32, #tpu.memory_space<vmem>>)
    %add3A_299 = arith.constant 640 : i32
    %add3A_300 = arith.addi %mul3A_2, %add3A_299 : i32
    %dma_start3A_301 = arith.constant 0 : i32
    %dma_start3A_302 = tpu.memref_slice %arg6[%add3A_300, %dma_start3A_301] : memref<32768x128xf32, #tpu.memory_space<hbm>> -> memref<128x128xf32, #tpu.memory_space<hbm>>
    %dma_start3A_303 = arith.constant 0 : i32
    %dma_start3A_304 = tpu.memref_slice %arg6[%add3A_300, %dma_start3A_303] : memref<32768x128xf32, #tpu.memory_space<hbm>> -> memref<128x128xf32, #tpu.memory_space<hbm>>
    tpu.enqueue_dma source(%arg12 : memref<128x128xf32, #tpu.memory_space<vmem>>) target(%dma_start3A_304 : memref<128x128xf32, #tpu.memory_space<hbm>>) target_semaphore(%arg26 : memref<!tpu.dma_semaphore, #tpu.memory_space<semaphore_mem>>)
    %dma_wait3A_305 = arith.constant 6 : i32
    %dma_wait3A_306 = arith.constant 0 : i32
    %dma_wait3A_307 = tpu.memref_slice %arg7[%dma_wait3A_305, %dma_wait3A_306] : memref<8x128xi32, #tpu.memory_space<vmem>> -> memref<1x128xi32, #tpu.memory_space<vmem>>
    %dma_wait3A_308 = tpu.memref_squeeze %dma_wait3A_307 : memref<1x128xi32, #tpu.memory_space<vmem>> -> memref<128xi32, #tpu.memory_space<vmem>>
    %dma_wait3A_309 = arith.constant 0 : i32
    %dma_wait3A_310 = arith.constant 0 : i32
    %dma_wait3A_311 = tpu.memref_slice %arg2[%dma_wait3A_309, %dma_wait3A_310] : memref<131072x128xf32, #tpu.memory_space<hbm>> -> memref<131072x128xf32, #tpu.memory_space<hbm>>
    tpu.wait_indirect_dma semaphore(%arg20 : memref<!tpu.dma_semaphore, #tpu.memory_space<semaphore_mem>>) src(%dma_wait3A_311 : memref<131072x128xf32, #tpu.memory_space<hbm>>) dst(%arg13 : memref<128x128xf32, #tpu.memory_space<vmem>>)
    %add3A_312 = arith.constant 768 : i32
    %add3A_313 = arith.addi %mul3A_2, %add3A_312 : i32
    %dma_start3A_314 = arith.constant 0 : i32
    %dma_start3A_315 = tpu.memref_slice %arg5[%add3A_313, %dma_start3A_314] : memref<32768x128xf32, #tpu.memory_space<hbm>> -> memref<128x128xf32, #tpu.memory_space<hbm>>
    %dma_start3A_316 = arith.constant 0 : i32
    %dma_start3A_317 = tpu.memref_slice %arg5[%add3A_313, %dma_start3A_316] : memref<32768x128xf32, #tpu.memory_space<hbm>> -> memref<128x128xf32, #tpu.memory_space<hbm>>
    tpu.enqueue_dma source(%arg13 : memref<128x128xf32, #tpu.memory_space<vmem>>) target(%dma_start3A_317 : memref<128x128xf32, #tpu.memory_space<hbm>>) target_semaphore(%arg27 : memref<!tpu.dma_semaphore, #tpu.memory_space<semaphore_mem>>)
    %dma_wait3A_318 = arith.constant 6 : i32
    %dma_wait3A_319 = arith.constant 0 : i32
    %dma_wait3A_320 = tpu.memref_slice %arg7[%dma_wait3A_318, %dma_wait3A_319] : memref<8x128xi32, #tpu.memory_space<vmem>> -> memref<1x128xi32, #tpu.memory_space<vmem>>
    %dma_wait3A_321 = tpu.memref_squeeze %dma_wait3A_320 : memref<1x128xi32, #tpu.memory_space<vmem>> -> memref<128xi32, #tpu.memory_space<vmem>>
    %dma_wait3A_322 = arith.constant 0 : i32
    %dma_wait3A_323 = arith.constant 0 : i32
    %dma_wait3A_324 = tpu.memref_slice %arg3[%dma_wait3A_322, %dma_wait3A_323] : memref<131072x128xf32, #tpu.memory_space<hbm>> -> memref<131072x128xf32, #tpu.memory_space<hbm>>
    tpu.wait_indirect_dma semaphore(%arg21 : memref<!tpu.dma_semaphore, #tpu.memory_space<semaphore_mem>>) src(%dma_wait3A_324 : memref<131072x128xf32, #tpu.memory_space<hbm>>) dst(%arg14 : memref<128x128xf32, #tpu.memory_space<vmem>>)
    %add3A_325 = arith.constant 768 : i32
    %add3A_326 = arith.addi %mul3A_2, %add3A_325 : i32
    %dma_start3A_327 = arith.constant 0 : i32
    %dma_start3A_328 = tpu.memref_slice %arg6[%add3A_326, %dma_start3A_327] : memref<32768x128xf32, #tpu.memory_space<hbm>> -> memref<128x128xf32, #tpu.memory_space<hbm>>
    %dma_start3A_329 = arith.constant 0 : i32
    %dma_start3A_330 = tpu.memref_slice %arg6[%add3A_326, %dma_start3A_329] : memref<32768x128xf32, #tpu.memory_space<hbm>> -> memref<128x128xf32, #tpu.memory_space<hbm>>
    tpu.enqueue_dma source(%arg14 : memref<128x128xf32, #tpu.memory_space<vmem>>) target(%dma_start3A_330 : memref<128x128xf32, #tpu.memory_space<hbm>>) target_semaphore(%arg28 : memref<!tpu.dma_semaphore, #tpu.memory_space<semaphore_mem>>)
    %dma_wait3A_331 = arith.constant 7 : i32
    %dma_wait3A_332 = arith.constant 0 : i32
    %dma_wait3A_333 = tpu.memref_slice %arg7[%dma_wait3A_331, %dma_wait3A_332] : memref<8x128xi32, #tpu.memory_space<vmem>> -> memref<1x128xi32, #tpu.memory_space<vmem>>
    %dma_wait3A_334 = tpu.memref_squeeze %dma_wait3A_333 : memref<1x128xi32, #tpu.memory_space<vmem>> -> memref<128xi32, #tpu.memory_space<vmem>>
    %dma_wait3A_335 = arith.constant 0 : i32
    %dma_wait3A_336 = arith.constant 0 : i32
    %dma_wait3A_337 = tpu.memref_slice %arg2[%dma_wait3A_335, %dma_wait3A_336] : memref<131072x128xf32, #tpu.memory_space<hbm>> -> memref<131072x128xf32, #tpu.memory_space<hbm>>
    tpu.wait_indirect_dma semaphore(%arg15 : memref<!tpu.dma_semaphore, #tpu.memory_space<semaphore_mem>>) src(%dma_wait3A_337 : memref<131072x128xf32, #tpu.memory_space<hbm>>) dst(%arg8 : memref<128x128xf32, #tpu.memory_space<vmem>>)
    %add3A_338 = arith.constant 896 : i32
    %add3A_339 = arith.addi %mul3A_2, %add3A_338 : i32
    %dma_start3A_340 = arith.constant 0 : i32
    %dma_start3A_341 = tpu.memref_slice %arg5[%add3A_339, %dma_start3A_340] : memref<32768x128xf32, #tpu.memory_space<hbm>> -> memref<128x128xf32, #tpu.memory_space<hbm>>
    %dma_start3A_342 = arith.constant 0 : i32
    %dma_start3A_343 = tpu.memref_slice %arg5[%add3A_339, %dma_start3A_342] : memref<32768x128xf32, #tpu.memory_space<hbm>> -> memref<128x128xf32, #tpu.memory_space<hbm>>
    tpu.enqueue_dma source(%arg8 : memref<128x128xf32, #tpu.memory_space<vmem>>) target(%dma_start3A_343 : memref<128x128xf32, #tpu.memory_space<hbm>>) target_semaphore(%arg22 : memref<!tpu.dma_semaphore, #tpu.memory_space<semaphore_mem>>)
    %dma_wait3A_344 = arith.constant 7 : i32
    %dma_wait3A_345 = arith.constant 0 : i32
    %dma_wait3A_346 = tpu.memref_slice %arg7[%dma_wait3A_344, %dma_wait3A_345] : memref<8x128xi32, #tpu.memory_space<vmem>> -> memref<1x128xi32, #tpu.memory_space<vmem>>
    %dma_wait3A_347 = tpu.memref_squeeze %dma_wait3A_346 : memref<1x128xi32, #tpu.memory_space<vmem>> -> memref<128xi32, #tpu.memory_space<vmem>>
    %dma_wait3A_348 = arith.constant 0 : i32
    %dma_wait3A_349 = arith.constant 0 : i32
    %dma_wait3A_350 = tpu.memref_slice %arg3[%dma_wait3A_348, %dma_wait3A_349] : memref<131072x128xf32, #tpu.memory_space<hbm>> -> memref<131072x128xf32, #tpu.memory_space<hbm>>
    tpu.wait_indirect_dma semaphore(%arg16 : memref<!tpu.dma_semaphore, #tpu.memory_space<semaphore_mem>>) src(%dma_wait3A_350 : memref<131072x128xf32, #tpu.memory_space<hbm>>) dst(%arg9 : memref<128x128xf32, #tpu.memory_space<vmem>>)
    %add3A_351 = arith.constant 896 : i32
    %add3A_352 = arith.addi %mul3A_2, %add3A_351 : i32
    %dma_start3A_353 = arith.constant 0 : i32
    %dma_start3A_354 = tpu.memref_slice %arg6[%add3A_352, %dma_start3A_353] : memref<32768x128xf32, #tpu.memory_space<hbm>> -> memref<128x128xf32, #tpu.memory_space<hbm>>
    %dma_start3A_355 = arith.constant 0 : i32
    %dma_start3A_356 = tpu.memref_slice %arg6[%add3A_352, %dma_start3A_355] : memref<32768x128xf32, #tpu.memory_space<hbm>> -> memref<128x128xf32, #tpu.memory_space<hbm>>
    tpu.enqueue_dma source(%arg9 : memref<128x128xf32, #tpu.memory_space<vmem>>) target(%dma_start3A_356 : memref<128x128xf32, #tpu.memory_space<hbm>>) target_semaphore(%arg23 : memref<!tpu.dma_semaphore, #tpu.memory_space<semaphore_mem>>)
    %dma_wait3A_357 = arith.constant 0 : i32
    %dma_wait3A_358 = tpu.memref_slice %arg6[%add3A_263, %dma_wait3A_357] : memref<32768x128xf32, #tpu.memory_space<hbm>> -> memref<128x128xf32, #tpu.memory_space<hbm>>
    %dma_wait3A_359 = arith.constant 0 : i32
    %dma_wait3A_360 = tpu.memref_slice %arg6[%add3A_263, %dma_wait3A_359] : memref<32768x128xf32, #tpu.memory_space<hbm>> -> memref<128x128xf32, #tpu.memory_space<hbm>>
    tpu.wait_dma2 semaphore(%arg24 : memref<!tpu.dma_semaphore, #tpu.memory_space<semaphore_mem>>) src(%arg10 : memref<128x128xf32, #tpu.memory_space<vmem>>) dst(%dma_wait3A_360 : memref<128x128xf32, #tpu.memory_space<hbm>>)
    %dma_wait3A_361 = arith.constant 0 : i32
    %dma_wait3A_362 = tpu.memref_slice %arg5[%add3A_287, %dma_wait3A_361] : memref<32768x128xf32, #tpu.memory_space<hbm>> -> memref<128x128xf32, #tpu.memory_space<hbm>>
    %dma_wait3A_363 = arith.constant 0 : i32
    %dma_wait3A_364 = tpu.memref_slice %arg5[%add3A_287, %dma_wait3A_363] : memref<32768x128xf32, #tpu.memory_space<hbm>> -> memref<128x128xf32, #tpu.memory_space<hbm>>
    tpu.wait_dma2 semaphore(%arg25 : memref<!tpu.dma_semaphore, #tpu.memory_space<semaphore_mem>>) src(%arg11 : memref<128x128xf32, #tpu.memory_space<vmem>>) dst(%dma_wait3A_364 : memref<128x128xf32, #tpu.memory_space<hbm>>)
    %dma_wait3A_365 = arith.constant 0 : i32
    %dma_wait3A_366 = tpu.memref_slice %arg6[%add3A_300, %dma_wait3A_365] : memref<32768x128xf32, #tpu.memory_space<hbm>> -> memref<128x128xf32, #tpu.memory_space<hbm>>
    %dma_wait3A_367 = arith.constant 0 : i32
    %dma_wait3A_368 = tpu.memref_slice %arg6[%add3A_300, %dma_wait3A_367] : memref<32768x128xf32, #tpu.memory_space<hbm>> -> memref<128x128xf32, #tpu.memory_space<hbm>>
    tpu.wait_dma2 semaphore(%arg26 : memref<!tpu.dma_semaphore, #tpu.memory_space<semaphore_mem>>) src(%arg12 : memref<128x128xf32, #tpu.memory_space<vmem>>) dst(%dma_wait3A_368 : memref<128x128xf32, #tpu.memory_space<hbm>>)
    %dma_wait3A_369 = arith.constant 0 : i32
    %dma_wait3A_370 = tpu.memref_slice %arg5[%add3A_313, %dma_wait3A_369] : memref<32768x128xf32, #tpu.memory_space<hbm>> -> memref<128x128xf32, #tpu.memory_space<hbm>>
    %dma_wait3A_371 = arith.constant 0 : i32
    %dma_wait3A_372 = tpu.memref_slice %arg5[%add3A_313, %dma_wait3A_371] : memref<32768x128xf32, #tpu.memory_space<hbm>> -> memref<128x128xf32, #tpu.memory_space<hbm>>
    tpu.wait_dma2 semaphore(%arg27 : memref<!tpu.dma_semaphore, #tpu.memory_space<semaphore_mem>>) src(%arg13 : memref<128x128xf32, #tpu.memory_space<vmem>>) dst(%dma_wait3A_372 : memref<128x128xf32, #tpu.memory_space<hbm>>)
    %dma_wait3A_373 = arith.constant 0 : i32
    %dma_wait3A_374 = tpu.memref_slice %arg6[%add3A_326, %dma_wait3A_373] : memref<32768x128xf32, #tpu.memory_space<hbm>> -> memref<128x128xf32, #tpu.memory_space<hbm>>
    %dma_wait3A_375 = arith.constant 0 : i32
    %dma_wait3A_376 = tpu.memref_slice %arg6[%add3A_326, %dma_wait3A_375] : memref<32768x128xf32, #tpu.memory_space<hbm>> -> memref<128x128xf32, #tpu.memory_space<hbm>>
    tpu.wait_dma2 semaphore(%arg28 : memref<!tpu.dma_semaphore, #tpu.memory_space<semaphore_mem>>) src(%arg14 : memref<128x128xf32, #tpu.memory_space<vmem>>) dst(%dma_wait3A_376 : memref<128x128xf32, #tpu.memory_space<hbm>>)
    %dma_wait3A_377 = arith.constant 0 : i32
    %dma_wait3A_378 = tpu.memref_slice %arg5[%add3A_339, %dma_wait3A_377] : memref<32768x128xf32, #tpu.memory_space<hbm>> -> memref<128x128xf32, #tpu.memory_space<hbm>>
    %dma_wait3A_379 = arith.constant 0 : i32
    %dma_wait3A_380 = tpu.memref_slice %arg5[%add3A_339, %dma_wait3A_379] : memref<32768x128xf32, #tpu.memory_space<hbm>> -> memref<128x128xf32, #tpu.memory_space<hbm>>
    tpu.wait_dma2 semaphore(%arg22 : memref<!tpu.dma_semaphore, #tpu.memory_space<semaphore_mem>>) src(%arg8 : memref<128x128xf32, #tpu.memory_space<vmem>>) dst(%dma_wait3A_380 : memref<128x128xf32, #tpu.memory_space<hbm>>)
    %dma_wait3A_381 = arith.constant 0 : i32
    %dma_wait3A_382 = tpu.memref_slice %arg6[%add3A_352, %dma_wait3A_381] : memref<32768x128xf32, #tpu.memory_space<hbm>> -> memref<128x128xf32, #tpu.memory_space<hbm>>
    %dma_wait3A_383 = arith.constant 0 : i32
    %dma_wait3A_384 = tpu.memref_slice %arg6[%add3A_352, %dma_wait3A_383] : memref<32768x128xf32, #tpu.memory_space<hbm>> -> memref<128x128xf32, #tpu.memory_space<hbm>>
    tpu.wait_dma2 semaphore(%arg23 : memref<!tpu.dma_semaphore, #tpu.memory_space<semaphore_mem>>) src(%arg9 : memref<128x128xf32, #tpu.memory_space<vmem>>) dst(%dma_wait3A_384 : memref<128x128xf32, #tpu.memory_space<hbm>>)
    return
  }
}

module attributes {stable_mosaic.version = 14 : i64} {
  func.func @_score_topk_body(%arg0: memref<4x32x1x128xf32, #tpu.memory_space<vmem>>, %arg1: memref<4x32x64x128xf32, #tpu.memory_space<vmem>>, %arg2: memref<32x8x128xi32, #tpu.memory_space<vmem>>) attributes {dimension_semantics = [], scalar_prefetch = 0 : i64, scratch_operands = 0 : i64, tpu.core_type = #tpu.core_type<tc>} {
    %get3A = arith.constant 0 : index
    %get3A_0 = arith.constant 0 : index
    %get3A_1 = arith.constant 0 : index
    %get3A_2 = arith.constant 0 : index
    %get3A_3 = vector.load %arg0[%get3A, %get3A_0, %get3A_1, %get3A_2] : memref<4x32x1x128xf32, #tpu.memory_space<vmem>>, vector<1x32x1x128xf32>
    %get3A_4 = vector.shape_cast %get3A_3 : vector<1x32x1x128xf32> to vector<32x128xf32>
    %get3A_5 = arith.constant 0 : index
    %get3A_6 = arith.constant 0 : index
    %get3A_7 = arith.constant 0 : index
    %get3A_8 = arith.constant 0 : index
    %get3A_9 = vector.load %arg1[%get3A_5, %get3A_6, %get3A_7, %get3A_8] : memref<4x32x64x128xf32, #tpu.memory_space<vmem>>, vector<1x32x64x128xf32>
    %get3A_10 = vector.shape_cast %get3A_9 : vector<1x32x64x128xf32> to vector<32x64x128xf32>
    %reshape3A = vector.shape_cast %get3A_10 : vector<32x64x128xf32> to vector<2048x128xf32>
    %dot_general3A = arith.constant dense<0.000000e+00> : vector<32x2048xf32>
    %dot_general3A_11 = tpu.matmul %get3A_4, %reshape3A, %dot_general3A {dimension_numbers = #tpu.dot_dimension_numbers<[1], [1], [0], [0], [0, 0, 1, 0], [], []>, transpose_lhs_hint = false} : vector<32x128xf32>, vector<2048x128xf32>, vector<32x2048xf32> -> vector<32x2048xf32>
    %reshape3A_12 = vector.shape_cast %dot_general3A_11 : vector<32x2048xf32> to vector<32x32x64xf32>
    %iota3A = tpu.iota {dimensions = array<i32: 0>} : vector<32x32x64xi32>
    %iota3A_13 = tpu.iota {dimensions = array<i32: 1>} : vector<32x32x64xi32>
    %eq3A = arith.cmpi eq, %iota3A, %iota3A_13 : vector<32x32x64xi32>
    %jit3A = arith.constant 0.000000e+00 : f32
    %broadcast_in_dim3A = vector.broadcast %jit3A : f32 to vector<32x32x64xf32>
    %select_n3A = arith.select %eq3A, %reshape3A_12, %broadcast_in_dim3A : vector<32x32x64xi1>, vector<32x32x64xf32>
    %reduce_sum3A = arith.constant dense<0.000000e+00> : vector<32x64xf32>
    %reduce_sum3A_14 = vector.multi_reduction <add>, %select_n3A, %reduce_sum3A [1] : vector<32x32x64xf32> to vector<32x64xf32>
    %get3A_15 = arith.constant 1 : index
    %get3A_16 = arith.constant 0 : index
    %get3A_17 = arith.constant 0 : index
    %get3A_18 = arith.constant 0 : index
    %get3A_19 = vector.load %arg0[%get3A_15, %get3A_16, %get3A_17, %get3A_18] : memref<4x32x1x128xf32, #tpu.memory_space<vmem>>, vector<1x32x1x128xf32>
    %get3A_20 = vector.shape_cast %get3A_19 : vector<1x32x1x128xf32> to vector<32x128xf32>
    %get3A_21 = arith.constant 1 : index
    %get3A_22 = arith.constant 0 : index
    %get3A_23 = arith.constant 0 : index
    %get3A_24 = arith.constant 0 : index
    %get3A_25 = vector.load %arg1[%get3A_21, %get3A_22, %get3A_23, %get3A_24] : memref<4x32x64x128xf32, #tpu.memory_space<vmem>>, vector<1x32x64x128xf32>
    %get3A_26 = vector.shape_cast %get3A_25 : vector<1x32x64x128xf32> to vector<32x64x128xf32>
    %reshape3A_27 = vector.shape_cast %get3A_26 : vector<32x64x128xf32> to vector<2048x128xf32>
    %dot_general3A_28 = arith.constant dense<0.000000e+00> : vector<32x2048xf32>
    %dot_general3A_29 = tpu.matmul %get3A_20, %reshape3A_27, %dot_general3A_28 {dimension_numbers = #tpu.dot_dimension_numbers<[1], [1], [0], [0], [0, 0, 1, 0], [], []>, transpose_lhs_hint = false} : vector<32x128xf32>, vector<2048x128xf32>, vector<32x2048xf32> -> vector<32x2048xf32>
    %reshape3A_30 = vector.shape_cast %dot_general3A_29 : vector<32x2048xf32> to vector<32x32x64xf32>
    %iota3A_31 = tpu.iota {dimensions = array<i32: 0>} : vector<32x32x64xi32>
    %iota3A_32 = tpu.iota {dimensions = array<i32: 1>} : vector<32x32x64xi32>
    %eq3A_33 = arith.cmpi eq, %iota3A_31, %iota3A_32 : vector<32x32x64xi32>
    %jit3A_34 = arith.constant 0.000000e+00 : f32
    %broadcast_in_dim3A_35 = vector.broadcast %jit3A_34 : f32 to vector<32x32x64xf32>
    %select_n3A_36 = arith.select %eq3A_33, %reshape3A_30, %broadcast_in_dim3A_35 : vector<32x32x64xi1>, vector<32x32x64xf32>
    %reduce_sum3A_37 = arith.constant dense<0.000000e+00> : vector<32x64xf32>
    %reduce_sum3A_38 = vector.multi_reduction <add>, %select_n3A_36, %reduce_sum3A_37 [1] : vector<32x32x64xf32> to vector<32x64xf32>
    %get3A_39 = arith.constant 2 : index
    %get3A_40 = arith.constant 0 : index
    %get3A_41 = arith.constant 0 : index
    %get3A_42 = arith.constant 0 : index
    %get3A_43 = vector.load %arg0[%get3A_39, %get3A_40, %get3A_41, %get3A_42] : memref<4x32x1x128xf32, #tpu.memory_space<vmem>>, vector<1x32x1x128xf32>
    %get3A_44 = vector.shape_cast %get3A_43 : vector<1x32x1x128xf32> to vector<32x128xf32>
    %get3A_45 = arith.constant 2 : index
    %get3A_46 = arith.constant 0 : index
    %get3A_47 = arith.constant 0 : index
    %get3A_48 = arith.constant 0 : index
    %get3A_49 = vector.load %arg1[%get3A_45, %get3A_46, %get3A_47, %get3A_48] : memref<4x32x64x128xf32, #tpu.memory_space<vmem>>, vector<1x32x64x128xf32>
    %get3A_50 = vector.shape_cast %get3A_49 : vector<1x32x64x128xf32> to vector<32x64x128xf32>
    %reshape3A_51 = vector.shape_cast %get3A_50 : vector<32x64x128xf32> to vector<2048x128xf32>
    %dot_general3A_52 = arith.constant dense<0.000000e+00> : vector<32x2048xf32>
    %dot_general3A_53 = tpu.matmul %get3A_44, %reshape3A_51, %dot_general3A_52 {dimension_numbers = #tpu.dot_dimension_numbers<[1], [1], [0], [0], [0, 0, 1, 0], [], []>, transpose_lhs_hint = false} : vector<32x128xf32>, vector<2048x128xf32>, vector<32x2048xf32> -> vector<32x2048xf32>
    %reshape3A_54 = vector.shape_cast %dot_general3A_53 : vector<32x2048xf32> to vector<32x32x64xf32>
    %iota3A_55 = tpu.iota {dimensions = array<i32: 0>} : vector<32x32x64xi32>
    %iota3A_56 = tpu.iota {dimensions = array<i32: 1>} : vector<32x32x64xi32>
    %eq3A_57 = arith.cmpi eq, %iota3A_55, %iota3A_56 : vector<32x32x64xi32>
    %jit3A_58 = arith.constant 0.000000e+00 : f32
    %broadcast_in_dim3A_59 = vector.broadcast %jit3A_58 : f32 to vector<32x32x64xf32>
    %select_n3A_60 = arith.select %eq3A_57, %reshape3A_54, %broadcast_in_dim3A_59 : vector<32x32x64xi1>, vector<32x32x64xf32>
    %reduce_sum3A_61 = arith.constant dense<0.000000e+00> : vector<32x64xf32>
    %reduce_sum3A_62 = vector.multi_reduction <add>, %select_n3A_60, %reduce_sum3A_61 [1] : vector<32x32x64xf32> to vector<32x64xf32>
    %get3A_63 = arith.constant 3 : index
    %get3A_64 = arith.constant 0 : index
    %get3A_65 = arith.constant 0 : index
    %get3A_66 = arith.constant 0 : index
    %get3A_67 = vector.load %arg0[%get3A_63, %get3A_64, %get3A_65, %get3A_66] : memref<4x32x1x128xf32, #tpu.memory_space<vmem>>, vector<1x32x1x128xf32>
    %get3A_68 = vector.shape_cast %get3A_67 : vector<1x32x1x128xf32> to vector<32x128xf32>
    %get3A_69 = arith.constant 3 : index
    %get3A_70 = arith.constant 0 : index
    %get3A_71 = arith.constant 0 : index
    %get3A_72 = arith.constant 0 : index
    %get3A_73 = vector.load %arg1[%get3A_69, %get3A_70, %get3A_71, %get3A_72] : memref<4x32x64x128xf32, #tpu.memory_space<vmem>>, vector<1x32x64x128xf32>
    %get3A_74 = vector.shape_cast %get3A_73 : vector<1x32x64x128xf32> to vector<32x64x128xf32>
    %reshape3A_75 = vector.shape_cast %get3A_74 : vector<32x64x128xf32> to vector<2048x128xf32>
    %dot_general3A_76 = arith.constant dense<0.000000e+00> : vector<32x2048xf32>
    %dot_general3A_77 = tpu.matmul %get3A_68, %reshape3A_75, %dot_general3A_76 {dimension_numbers = #tpu.dot_dimension_numbers<[1], [1], [0], [0], [0, 0, 1, 0], [], []>, transpose_lhs_hint = false} : vector<32x128xf32>, vector<2048x128xf32>, vector<32x2048xf32> -> vector<32x2048xf32>
    %reshape3A_78 = vector.shape_cast %dot_general3A_77 : vector<32x2048xf32> to vector<32x32x64xf32>
    %iota3A_79 = tpu.iota {dimensions = array<i32: 0>} : vector<32x32x64xi32>
    %iota3A_80 = tpu.iota {dimensions = array<i32: 1>} : vector<32x32x64xi32>
    %eq3A_81 = arith.cmpi eq, %iota3A_79, %iota3A_80 : vector<32x32x64xi32>
    %jit3A_82 = arith.constant 0.000000e+00 : f32
    %broadcast_in_dim3A_83 = vector.broadcast %jit3A_82 : f32 to vector<32x32x64xf32>
    %select_n3A_84 = arith.select %eq3A_81, %reshape3A_78, %broadcast_in_dim3A_83 : vector<32x32x64xi1>, vector<32x32x64xf32>
    %reduce_sum3A_85 = arith.constant dense<0.000000e+00> : vector<32x64xf32>
    %reduce_sum3A_86 = vector.multi_reduction <add>, %select_n3A_84, %reduce_sum3A_85 [1] : vector<32x32x64xf32> to vector<32x64xf32>
    %concatenate3A = tpu.concatenate %reduce_sum3A_14, %reduce_sum3A_38, %reduce_sum3A_62, %reduce_sum3A_86 in 0 : vector<32x64xf32>, vector<32x64xf32>, vector<32x64xf32>, vector<32x64xf32> -> vector<128x64xf32>
    %div3A = arith.constant 11.3137083 : f32
    %div3A_87 = vector.broadcast %div3A : f32 to vector<128x64xf32>
    %div3A_88 = arith.divf %concatenate3A, %div3A_87 : vector<128x64xf32>
    %reduce_max3A = arith.constant dense<0xFF800000> : vector<128xf32>
    %reduce_max3A_89 = vector.multi_reduction <maximumf>, %div3A_88, %reduce_max3A [1] : vector<128x64xf32> to vector<128xf32>
    %broadcast_in_dim3A_90 = vector.shape_cast %reduce_max3A_89 : vector<128xf32> to vector<128x1xf32>
    %sub3A = vector.broadcast %broadcast_in_dim3A_90 : vector<128x1xf32> to vector<128x64xf32>
    %sub3A_91 = arith.subf %div3A_88, %sub3A : vector<128x64xf32>
    %exp3A = math.exp %sub3A_91 : vector<128x64xf32>
    %reduce_sum3A_92 = arith.constant dense<0.000000e+00> : vector<128xf32>
    %reduce_sum3A_93 = vector.multi_reduction <add>, %exp3A, %reduce_sum3A_92 [1] : vector<128x64xf32> to vector<128xf32>
    %broadcast_in_dim3A_94 = vector.shape_cast %reduce_sum3A_93 : vector<128xf32> to vector<128x1xf32>
    %div3A_95 = vector.broadcast %broadcast_in_dim3A_94 : vector<128x1xf32> to vector<128x64xf32>
    %div3A_96 = arith.divf %exp3A, %div3A_95 : vector<128x64xf32>
    %reshape3A_97 = vector.shape_cast %div3A_96 : vector<128x64xf32> to vector<32x4x64xf32>
    %slice3A = vector.extract_strided_slice %reshape3A_97 {offsets = [0, 0, 0], sizes = [32, 1, 64], strides = [1, 1, 1]} : vector<32x4x64xf32> to vector<32x1x64xf32>
    %squeeze3A = vector.shape_cast %slice3A : vector<32x1x64xf32> to vector<32x64xf32>
    %slice3A_98 = vector.extract_strided_slice %reshape3A_97 {offsets = [0, 1, 0], sizes = [32, 1, 64], strides = [1, 1, 1]} : vector<32x4x64xf32> to vector<32x1x64xf32>
    %squeeze3A_99 = vector.shape_cast %slice3A_98 : vector<32x1x64xf32> to vector<32x64xf32>
    %add3A = arith.addf %squeeze3A, %squeeze3A_99 : vector<32x64xf32>
    %slice3A_100 = vector.extract_strided_slice %reshape3A_97 {offsets = [0, 2, 0], sizes = [32, 1, 64], strides = [1, 1, 1]} : vector<32x4x64xf32> to vector<32x1x64xf32>
    %squeeze3A_101 = vector.shape_cast %slice3A_100 : vector<32x1x64xf32> to vector<32x64xf32>
    %add3A_102 = arith.addf %add3A, %squeeze3A_101 : vector<32x64xf32>
    %slice3A_103 = vector.extract_strided_slice %reshape3A_97 {offsets = [0, 3, 0], sizes = [32, 1, 64], strides = [1, 1, 1]} : vector<32x4x64xf32> to vector<32x1x64xf32>
    %squeeze3A_104 = vector.shape_cast %slice3A_103 : vector<32x1x64xf32> to vector<32x64xf32>
    %add3A_105 = arith.addf %add3A_102, %squeeze3A_104 : vector<32x64xf32>
    %div3A_106 = arith.constant 4.000000e+00 : f32
    %div3A_107 = vector.broadcast %div3A_106 : f32 to vector<32x64xf32>
    %div3A_108 = arith.divf %add3A_105, %div3A_107 : vector<32x64xf32>
    %iota3A_109 = tpu.iota {dimensions = array<i32: 1>} : vector<32x64xi32>
    %iota3A_110 = tpu.iota {dimensions = array<i32: 0>} : vector<32x64xi32>
    %mul3A = arith.constant 4096 : i32
    %mul3A_111 = vector.broadcast %mul3A : i32 to vector<32x64xi32>
    %mul3A_112 = arith.muli %iota3A_110, %mul3A_111 : vector<32x64xi32>
    %reduce_max3A_113 = arith.constant dense<0xFF800000> : vector<32xf32>
    %reduce_max3A_114 = vector.multi_reduction <maximumf>, %div3A_108, %reduce_max3A_113 [1] : vector<32x64xf32> to vector<32xf32>
    %broadcast_in_dim3A_115 = vector.shape_cast %reduce_max3A_114 : vector<32xf32> to vector<32x1xf32>
    %eq3A_116 = vector.broadcast %broadcast_in_dim3A_115 : vector<32x1xf32> to vector<32x64xf32>
    %eq3A_117 = arith.cmpf oeq, %div3A_108, %eq3A_116 : vector<32x64xf32>
    %jit3A_118 = arith.constant 64 : i32
    %broadcast_in_dim3A_119 = vector.broadcast %jit3A_118 : i32 to vector<32x64xi32>
    %select_n3A_120 = arith.select %eq3A_117, %iota3A_109, %broadcast_in_dim3A_119 : vector<32x64xi1>, vector<32x64xi32>
    %reduce_min3A = arith.constant dense<2147483647> : vector<32xi32>
    %reduce_min3A_121 = vector.multi_reduction <minsi>, %select_n3A_120, %reduce_min3A [1] : vector<32x64xi32> to vector<32xi32>
    %broadcast_in_dim3A_122 = vector.shape_cast %reduce_min3A_121 : vector<32xi32> to vector<32x1xi32>
    %mul3A_123 = arith.constant 64 : i32
    %mul3A_124 = vector.broadcast %mul3A_123 : i32 to vector<32x1xi32>
    %mul3A_125 = arith.muli %broadcast_in_dim3A_122, %mul3A_124 : vector<32x1xi32>
    %add3A_126 = vector.broadcast %mul3A_125 : vector<32x1xi32> to vector<32x64xi32>
    %add3A_127 = arith.addi %mul3A_112, %add3A_126 : vector<32x64xi32>
    %add3A_128 = arith.addi %add3A_127, %iota3A_109 : vector<32x64xi32>
    %swap3A = arith.constant 0 : index
    %swap3A_129 = arith.constant 0 : index
    %swap3A_130 = arith.constant 0 : index
    %swap3A_131 = vector.load %arg2[%swap3A, %swap3A_129, %swap3A_130] : memref<32x8x128xi32, #tpu.memory_space<vmem>>, vector<32x1x64xi32>
    %swap3A_132 = vector.shape_cast %swap3A_131 : vector<32x1x64xi32> to vector<32x64xi32>
    %swap3A_133 = vector.shape_cast %add3A_128 : vector<32x64xi32> to vector<32x1x64xi32>
    tpu.vector_store %arg2[%swap3A, %swap3A_129, %swap3A_130], %swap3A_133 {strides = array<i32>} : memref<32x8x128xi32, #tpu.memory_space<vmem>>, vector<32x1x64xi32>,
    %eq3A_134 = vector.broadcast %broadcast_in_dim3A_122 : vector<32x1xi32> to vector<32x64xi32>
    %eq3A_135 = arith.cmpi eq, %iota3A_109, %eq3A_134 : vector<32x64xi32>
    %jit3A_136 = arith.constant -1.000000e+00 : f32
    %broadcast_in_dim3A_137 = vector.broadcast %jit3A_136 : f32 to vector<32x64xf32>
    %select_n3A_138 = arith.select %eq3A_135, %broadcast_in_dim3A_137, %div3A_108 : vector<32x64xi1>, vector<32x64xf32>
    %reduce_max3A_139 = arith.constant dense<0xFF800000> : vector<32xf32>
    %reduce_max3A_140 = vector.multi_reduction <maximumf>, %select_n3A_138, %reduce_max3A_139 [1] : vector<32x64xf32> to vector<32xf32>
    %broadcast_in_dim3A_141 = vector.shape_cast %reduce_max3A_140 : vector<32xf32> to vector<32x1xf32>
    %eq3A_142 = vector.broadcast %broadcast_in_dim3A_141 : vector<32x1xf32> to vector<32x64xf32>
    %eq3A_143 = arith.cmpf oeq, %select_n3A_138, %eq3A_142 : vector<32x64xf32>
    %jit3A_144 = arith.constant 64 : i32
    %broadcast_in_dim3A_145 = vector.broadcast %jit3A_144 : i32 to vector<32x64xi32>
    %select_n3A_146 = arith.select %eq3A_143, %iota3A_109, %broadcast_in_dim3A_145 : vector<32x64xi1>, vector<32x64xi32>
    %reduce_min3A_147 = arith.constant dense<2147483647> : vector<32xi32>
    %reduce_min3A_148 = vector.multi_reduction <minsi>, %select_n3A_146, %reduce_min3A_147 [1] : vector<32x64xi32> to vector<32xi32>
    %broadcast_in_dim3A_149 = vector.shape_cast %reduce_min3A_148 : vector<32xi32> to vector<32x1xi32>
    %mul3A_150 = arith.constant 64 : i32
    %mul3A_151 = vector.broadcast %mul3A_150 : i32 to vector<32x1xi32>
    %mul3A_152 = arith.muli %broadcast_in_dim3A_149, %mul3A_151 : vector<32x1xi32>
    %add3A_153 = vector.broadcast %mul3A_152 : vector<32x1xi32> to vector<32x64xi32>
    %add3A_154 = arith.addi %mul3A_112, %add3A_153 : vector<32x64xi32>
    %add3A_155 = arith.addi %add3A_154, %iota3A_109 : vector<32x64xi32>
    %swap3A_156 = arith.constant 0 : index
    %swap3A_157 = arith.constant 0 : index
    %swap3A_158 = arith.constant 64 : index
    %swap3A_159 = vector.load %arg2[%swap3A_156, %swap3A_157, %swap3A_158] : memref<32x8x128xi32, #tpu.memory_space<vmem>>, vector<32x1x64xi32>
    %swap3A_160 = vector.shape_cast %swap3A_159 : vector<32x1x64xi32> to vector<32x64xi32>
    %swap3A_161 = vector.shape_cast %add3A_155 : vector<32x64xi32> to vector<32x1x64xi32>
    tpu.vector_store %arg2[%swap3A_156, %swap3A_157, %swap3A_158], %swap3A_161 {strides = array<i32>} : memref<32x8x128xi32, #tpu.memory_space<vmem>>, vector<32x1x64xi32>,
    %eq3A_162 = vector.broadcast %broadcast_in_dim3A_149 : vector<32x1xi32> to vector<32x64xi32>
    %eq3A_163 = arith.cmpi eq, %iota3A_109, %eq3A_162 : vector<32x64xi32>
    %jit3A_164 = arith.constant -1.000000e+00 : f32
    %broadcast_in_dim3A_165 = vector.broadcast %jit3A_164 : f32 to vector<32x64xf32>
    %select_n3A_166 = arith.select %eq3A_163, %broadcast_in_dim3A_165, %select_n3A_138 : vector<32x64xi1>, vector<32x64xf32>
    %reduce_max3A_167 = arith.constant dense<0xFF800000> : vector<32xf32>
    %reduce_max3A_168 = vector.multi_reduction <maximumf>, %select_n3A_166, %reduce_max3A_167 [1] : vector<32x64xf32> to vector<32xf32>
    %broadcast_in_dim3A_169 = vector.shape_cast %reduce_max3A_168 : vector<32xf32> to vector<32x1xf32>
    %eq3A_170 = vector.broadcast %broadcast_in_dim3A_169 : vector<32x1xf32> to vector<32x64xf32>
    %eq3A_171 = arith.cmpf oeq, %select_n3A_166, %eq3A_170 : vector<32x64xf32>
    %jit3A_172 = arith.constant 64 : i32
    %broadcast_in_dim3A_173 = vector.broadcast %jit3A_172 : i32 to vector<32x64xi32>
    %select_n3A_174 = arith.select %eq3A_171, %iota3A_109, %broadcast_in_dim3A_173 : vector<32x64xi1>, vector<32x64xi32>
    %reduce_min3A_175 = arith.constant dense<2147483647> : vector<32xi32>
    %reduce_min3A_176 = vector.multi_reduction <minsi>, %select_n3A_174, %reduce_min3A_175 [1] : vector<32x64xi32> to vector<32xi32>
    %broadcast_in_dim3A_177 = vector.shape_cast %reduce_min3A_176 : vector<32xi32> to vector<32x1xi32>
    %mul3A_178 = arith.constant 64 : i32
    %mul3A_179 = vector.broadcast %mul3A_178 : i32 to vector<32x1xi32>
    %mul3A_180 = arith.muli %broadcast_in_dim3A_177, %mul3A_179 : vector<32x1xi32>
    %add3A_181 = vector.broadcast %mul3A_180 : vector<32x1xi32> to vector<32x64xi32>
    %add3A_182 = arith.addi %mul3A_112, %add3A_181 : vector<32x64xi32>
    %add3A_183 = arith.addi %add3A_182, %iota3A_109 : vector<32x64xi32>
    %swap3A_184 = arith.constant 0 : index
    %swap3A_185 = arith.constant 1 : index
    %swap3A_186 = arith.constant 0 : index
    %swap3A_187 = vector.load %arg2[%swap3A_184, %swap3A_185, %swap3A_186] : memref<32x8x128xi32, #tpu.memory_space<vmem>>, vector<32x1x64xi32>
    %swap3A_188 = vector.shape_cast %swap3A_187 : vector<32x1x64xi32> to vector<32x64xi32>
    %swap3A_189 = vector.shape_cast %add3A_183 : vector<32x64xi32> to vector<32x1x64xi32>
    tpu.vector_store %arg2[%swap3A_184, %swap3A_185, %swap3A_186], %swap3A_189 {strides = array<i32>} : memref<32x8x128xi32, #tpu.memory_space<vmem>>, vector<32x1x64xi32>,
    %eq3A_190 = vector.broadcast %broadcast_in_dim3A_177 : vector<32x1xi32> to vector<32x64xi32>
    %eq3A_191 = arith.cmpi eq, %iota3A_109, %eq3A_190 : vector<32x64xi32>
    %jit3A_192 = arith.constant -1.000000e+00 : f32
    %broadcast_in_dim3A_193 = vector.broadcast %jit3A_192 : f32 to vector<32x64xf32>
    %select_n3A_194 = arith.select %eq3A_191, %broadcast_in_dim3A_193, %select_n3A_166 : vector<32x64xi1>, vector<32x64xf32>
    %reduce_max3A_195 = arith.constant dense<0xFF800000> : vector<32xf32>
    %reduce_max3A_196 = vector.multi_reduction <maximumf>, %select_n3A_194, %reduce_max3A_195 [1] : vector<32x64xf32> to vector<32xf32>
    %broadcast_in_dim3A_197 = vector.shape_cast %reduce_max3A_196 : vector<32xf32> to vector<32x1xf32>
    %eq3A_198 = vector.broadcast %broadcast_in_dim3A_197 : vector<32x1xf32> to vector<32x64xf32>
    %eq3A_199 = arith.cmpf oeq, %select_n3A_194, %eq3A_198 : vector<32x64xf32>
    %jit3A_200 = arith.constant 64 : i32
    %broadcast_in_dim3A_201 = vector.broadcast %jit3A_200 : i32 to vector<32x64xi32>
    %select_n3A_202 = arith.select %eq3A_199, %iota3A_109, %broadcast_in_dim3A_201 : vector<32x64xi1>, vector<32x64xi32>
    %reduce_min3A_203 = arith.constant dense<2147483647> : vector<32xi32>
    %reduce_min3A_204 = vector.multi_reduction <minsi>, %select_n3A_202, %reduce_min3A_203 [1] : vector<32x64xi32> to vector<32xi32>
    %broadcast_in_dim3A_205 = vector.shape_cast %reduce_min3A_204 : vector<32xi32> to vector<32x1xi32>
    %mul3A_206 = arith.constant 64 : i32
    %mul3A_207 = vector.broadcast %mul3A_206 : i32 to vector<32x1xi32>
    %mul3A_208 = arith.muli %broadcast_in_dim3A_205, %mul3A_207 : vector<32x1xi32>
    %add3A_209 = vector.broadcast %mul3A_208 : vector<32x1xi32> to vector<32x64xi32>
    %add3A_210 = arith.addi %mul3A_112, %add3A_209 : vector<32x64xi32>
    %add3A_211 = arith.addi %add3A_210, %iota3A_109 : vector<32x64xi32>
    %swap3A_212 = arith.constant 0 : index
    %swap3A_213 = arith.constant 1 : index
    %swap3A_214 = arith.constant 64 : index
    %swap3A_215 = vector.load %arg2[%swap3A_212, %swap3A_213, %swap3A_214] : memref<32x8x128xi32, #tpu.memory_space<vmem>>, vector<32x1x64xi32>
    %swap3A_216 = vector.shape_cast %swap3A_215 : vector<32x1x64xi32> to vector<32x64xi32>
    %swap3A_217 = vector.shape_cast %add3A_211 : vector<32x64xi32> to vector<32x1x64xi32>
    tpu.vector_store %arg2[%swap3A_212, %swap3A_213, %swap3A_214], %swap3A_217 {strides = array<i32>} : memref<32x8x128xi32, #tpu.memory_space<vmem>>, vector<32x1x64xi32>,
    %eq3A_218 = vector.broadcast %broadcast_in_dim3A_205 : vector<32x1xi32> to vector<32x64xi32>
    %eq3A_219 = arith.cmpi eq, %iota3A_109, %eq3A_218 : vector<32x64xi32>
    %jit3A_220 = arith.constant -1.000000e+00 : f32
    %broadcast_in_dim3A_221 = vector.broadcast %jit3A_220 : f32 to vector<32x64xf32>
    %select_n3A_222 = arith.select %eq3A_219, %broadcast_in_dim3A_221, %select_n3A_194 : vector<32x64xi1>, vector<32x64xf32>
    %reduce_max3A_223 = arith.constant dense<0xFF800000> : vector<32xf32>
    %reduce_max3A_224 = vector.multi_reduction <maximumf>, %select_n3A_222, %reduce_max3A_223 [1] : vector<32x64xf32> to vector<32xf32>
    %broadcast_in_dim3A_225 = vector.shape_cast %reduce_max3A_224 : vector<32xf32> to vector<32x1xf32>
    %eq3A_226 = vector.broadcast %broadcast_in_dim3A_225 : vector<32x1xf32> to vector<32x64xf32>
    %eq3A_227 = arith.cmpf oeq, %select_n3A_222, %eq3A_226 : vector<32x64xf32>
    %jit3A_228 = arith.constant 64 : i32
    %broadcast_in_dim3A_229 = vector.broadcast %jit3A_228 : i32 to vector<32x64xi32>
    %select_n3A_230 = arith.select %eq3A_227, %iota3A_109, %broadcast_in_dim3A_229 : vector<32x64xi1>, vector<32x64xi32>
    %reduce_min3A_231 = arith.constant dense<2147483647> : vector<32xi32>
    %reduce_min3A_232 = vector.multi_reduction <minsi>, %select_n3A_230, %reduce_min3A_231 [1] : vector<32x64xi32> to vector<32xi32>
    %broadcast_in_dim3A_233 = vector.shape_cast %reduce_min3A_232 : vector<32xi32> to vector<32x1xi32>
    %mul3A_234 = arith.constant 64 : i32
    %mul3A_235 = vector.broadcast %mul3A_234 : i32 to vector<32x1xi32>
    %mul3A_236 = arith.muli %broadcast_in_dim3A_233, %mul3A_235 : vector<32x1xi32>
    %add3A_237 = vector.broadcast %mul3A_236 : vector<32x1xi32> to vector<32x64xi32>
    %add3A_238 = arith.addi %mul3A_112, %add3A_237 : vector<32x64xi32>
    %add3A_239 = arith.addi %add3A_238, %iota3A_109 : vector<32x64xi32>
    %swap3A_240 = arith.constant 0 : index
    %swap3A_241 = arith.constant 2 : index
    %swap3A_242 = arith.constant 0 : index
    %swap3A_243 = vector.load %arg2[%swap3A_240, %swap3A_241, %swap3A_242] : memref<32x8x128xi32, #tpu.memory_space<vmem>>, vector<32x1x64xi32>
    %swap3A_244 = vector.shape_cast %swap3A_243 : vector<32x1x64xi32> to vector<32x64xi32>
    %swap3A_245 = vector.shape_cast %add3A_239 : vector<32x64xi32> to vector<32x1x64xi32>
    tpu.vector_store %arg2[%swap3A_240, %swap3A_241, %swap3A_242], %swap3A_245 {strides = array<i32>} : memref<32x8x128xi32, #tpu.memory_space<vmem>>, vector<32x1x64xi32>,
    %eq3A_246 = vector.broadcast %broadcast_in_dim3A_233 : vector<32x1xi32> to vector<32x64xi32>
    %eq3A_247 = arith.cmpi eq, %iota3A_109, %eq3A_246 : vector<32x64xi32>
    %jit3A_248 = arith.constant -1.000000e+00 : f32
    %broadcast_in_dim3A_249 = vector.broadcast %jit3A_248 : f32 to vector<32x64xf32>
    %select_n3A_250 = arith.select %eq3A_247, %broadcast_in_dim3A_249, %select_n3A_222 : vector<32x64xi1>, vector<32x64xf32>
    %reduce_max3A_251 = arith.constant dense<0xFF800000> : vector<32xf32>
    %reduce_max3A_252 = vector.multi_reduction <maximumf>, %select_n3A_250, %reduce_max3A_251 [1] : vector<32x64xf32> to vector<32xf32>
    %broadcast_in_dim3A_253 = vector.shape_cast %reduce_max3A_252 : vector<32xf32> to vector<32x1xf32>
    %eq3A_254 = vector.broadcast %broadcast_in_dim3A_253 : vector<32x1xf32> to vector<32x64xf32>
    %eq3A_255 = arith.cmpf oeq, %select_n3A_250, %eq3A_254 : vector<32x64xf32>
    %jit3A_256 = arith.constant 64 : i32
    %broadcast_in_dim3A_257 = vector.broadcast %jit3A_256 : i32 to vector<32x64xi32>
    %select_n3A_258 = arith.select %eq3A_255, %iota3A_109, %broadcast_in_dim3A_257 : vector<32x64xi1>, vector<32x64xi32>
    %reduce_min3A_259 = arith.constant dense<2147483647> : vector<32xi32>
    %reduce_min3A_260 = vector.multi_reduction <minsi>, %select_n3A_258, %reduce_min3A_259 [1] : vector<32x64xi32> to vector<32xi32>
    %broadcast_in_dim3A_261 = vector.shape_cast %reduce_min3A_260 : vector<32xi32> to vector<32x1xi32>
    %mul3A_262 = arith.constant 64 : i32
    %mul3A_263 = vector.broadcast %mul3A_262 : i32 to vector<32x1xi32>
    %mul3A_264 = arith.muli %broadcast_in_dim3A_261, %mul3A_263 : vector<32x1xi32>
    %add3A_265 = vector.broadcast %mul3A_264 : vector<32x1xi32> to vector<32x64xi32>
    %add3A_266 = arith.addi %mul3A_112, %add3A_265 : vector<32x64xi32>
    %add3A_267 = arith.addi %add3A_266, %iota3A_109 : vector<32x64xi32>
    %swap3A_268 = arith.constant 0 : index
    %swap3A_269 = arith.constant 2 : index
    %swap3A_270 = arith.constant 64 : index
    %swap3A_271 = vector.load %arg2[%swap3A_268, %swap3A_269, %swap3A_270] : memref<32x8x128xi32, #tpu.memory_space<vmem>>, vector<32x1x64xi32>
    %swap3A_272 = vector.shape_cast %swap3A_271 : vector<32x1x64xi32> to vector<32x64xi32>
    %swap3A_273 = vector.shape_cast %add3A_267 : vector<32x64xi32> to vector<32x1x64xi32>
    tpu.vector_store %arg2[%swap3A_268, %swap3A_269, %swap3A_270], %swap3A_273 {strides = array<i32>} : memref<32x8x128xi32, #tpu.memory_space<vmem>>, vector<32x1x64xi32>,
    %eq3A_274 = vector.broadcast %broadcast_in_dim3A_261 : vector<32x1xi32> to vector<32x64xi32>
    %eq3A_275 = arith.cmpi eq, %iota3A_109, %eq3A_274 : vector<32x64xi32>
    %jit3A_276 = arith.constant -1.000000e+00 : f32
    %broadcast_in_dim3A_277 = vector.broadcast %jit3A_276 : f32 to vector<32x64xf32>
    %select_n3A_278 = arith.select %eq3A_275, %broadcast_in_dim3A_277, %select_n3A_250 : vector<32x64xi1>, vector<32x64xf32>
    %reduce_max3A_279 = arith.constant dense<0xFF800000> : vector<32xf32>
    %reduce_max3A_280 = vector.multi_reduction <maximumf>, %select_n3A_278, %reduce_max3A_279 [1] : vector<32x64xf32> to vector<32xf32>
    %broadcast_in_dim3A_281 = vector.shape_cast %reduce_max3A_280 : vector<32xf32> to vector<32x1xf32>
    %eq3A_282 = vector.broadcast %broadcast_in_dim3A_281 : vector<32x1xf32> to vector<32x64xf32>
    %eq3A_283 = arith.cmpf oeq, %select_n3A_278, %eq3A_282 : vector<32x64xf32>
    %jit3A_284 = arith.constant 64 : i32
    %broadcast_in_dim3A_285 = vector.broadcast %jit3A_284 : i32 to vector<32x64xi32>
    %select_n3A_286 = arith.select %eq3A_283, %iota3A_109, %broadcast_in_dim3A_285 : vector<32x64xi1>, vector<32x64xi32>
    %reduce_min3A_287 = arith.constant dense<2147483647> : vector<32xi32>
    %reduce_min3A_288 = vector.multi_reduction <minsi>, %select_n3A_286, %reduce_min3A_287 [1] : vector<32x64xi32> to vector<32xi32>
    %broadcast_in_dim3A_289 = vector.shape_cast %reduce_min3A_288 : vector<32xi32> to vector<32x1xi32>
    %mul3A_290 = arith.constant 64 : i32
    %mul3A_291 = vector.broadcast %mul3A_290 : i32 to vector<32x1xi32>
    %mul3A_292 = arith.muli %broadcast_in_dim3A_289, %mul3A_291 : vector<32x1xi32>
    %add3A_293 = vector.broadcast %mul3A_292 : vector<32x1xi32> to vector<32x64xi32>
    %add3A_294 = arith.addi %mul3A_112, %add3A_293 : vector<32x64xi32>
    %add3A_295 = arith.addi %add3A_294, %iota3A_109 : vector<32x64xi32>
    %swap3A_296 = arith.constant 0 : index
    %swap3A_297 = arith.constant 3 : index
    %swap3A_298 = arith.constant 0 : index
    %swap3A_299 = vector.load %arg2[%swap3A_296, %swap3A_297, %swap3A_298] : memref<32x8x128xi32, #tpu.memory_space<vmem>>, vector<32x1x64xi32>
    %swap3A_300 = vector.shape_cast %swap3A_299 : vector<32x1x64xi32> to vector<32x64xi32>
    %swap3A_301 = vector.shape_cast %add3A_295 : vector<32x64xi32> to vector<32x1x64xi32>
    tpu.vector_store %arg2[%swap3A_296, %swap3A_297, %swap3A_298], %swap3A_301 {strides = array<i32>} : memref<32x8x128xi32, #tpu.memory_space<vmem>>, vector<32x1x64xi32>,
    %eq3A_302 = vector.broadcast %broadcast_in_dim3A_289 : vector<32x1xi32> to vector<32x64xi32>
    %eq3A_303 = arith.cmpi eq, %iota3A_109, %eq3A_302 : vector<32x64xi32>
    %jit3A_304 = arith.constant -1.000000e+00 : f32
    %broadcast_in_dim3A_305 = vector.broadcast %jit3A_304 : f32 to vector<32x64xf32>
    %select_n3A_306 = arith.select %eq3A_303, %broadcast_in_dim3A_305, %select_n3A_278 : vector<32x64xi1>, vector<32x64xf32>
    %reduce_max3A_307 = arith.constant dense<0xFF800000> : vector<32xf32>
    %reduce_max3A_308 = vector.multi_reduction <maximumf>, %select_n3A_306, %reduce_max3A_307 [1] : vector<32x64xf32> to vector<32xf32>
    %broadcast_in_dim3A_309 = vector.shape_cast %reduce_max3A_308 : vector<32xf32> to vector<32x1xf32>
    %eq3A_310 = vector.broadcast %broadcast_in_dim3A_309 : vector<32x1xf32> to vector<32x64xf32>
    %eq3A_311 = arith.cmpf oeq, %select_n3A_306, %eq3A_310 : vector<32x64xf32>
    %jit3A_312 = arith.constant 64 : i32
    %broadcast_in_dim3A_313 = vector.broadcast %jit3A_312 : i32 to vector<32x64xi32>
    %select_n3A_314 = arith.select %eq3A_311, %iota3A_109, %broadcast_in_dim3A_313 : vector<32x64xi1>, vector<32x64xi32>
    %reduce_min3A_315 = arith.constant dense<2147483647> : vector<32xi32>
    %reduce_min3A_316 = vector.multi_reduction <minsi>, %select_n3A_314, %reduce_min3A_315 [1] : vector<32x64xi32> to vector<32xi32>
    %broadcast_in_dim3A_317 = vector.shape_cast %reduce_min3A_316 : vector<32xi32> to vector<32x1xi32>
    %mul3A_318 = arith.constant 64 : i32
    %mul3A_319 = vector.broadcast %mul3A_318 : i32 to vector<32x1xi32>
    %mul3A_320 = arith.muli %broadcast_in_dim3A_317, %mul3A_319 : vector<32x1xi32>
    %add3A_321 = vector.broadcast %mul3A_320 : vector<32x1xi32> to vector<32x64xi32>
    %add3A_322 = arith.addi %mul3A_112, %add3A_321 : vector<32x64xi32>
    %add3A_323 = arith.addi %add3A_322, %iota3A_109 : vector<32x64xi32>
    %swap3A_324 = arith.constant 0 : index
    %swap3A_325 = arith.constant 3 : index
    %swap3A_326 = arith.constant 64 : index
    %swap3A_327 = vector.load %arg2[%swap3A_324, %swap3A_325, %swap3A_326] : memref<32x8x128xi32, #tpu.memory_space<vmem>>, vector<32x1x64xi32>
    %swap3A_328 = vector.shape_cast %swap3A_327 : vector<32x1x64xi32> to vector<32x64xi32>
    %swap3A_329 = vector.shape_cast %add3A_323 : vector<32x64xi32> to vector<32x1x64xi32>
    tpu.vector_store %arg2[%swap3A_324, %swap3A_325, %swap3A_326], %swap3A_329 {strides = array<i32>} : memref<32x8x128xi32, #tpu.memory_space<vmem>>, vector<32x1x64xi32>,
    %eq3A_330 = vector.broadcast %broadcast_in_dim3A_317 : vector<32x1xi32> to vector<32x64xi32>
    %eq3A_331 = arith.cmpi eq, %iota3A_109, %eq3A_330 : vector<32x64xi32>
    %jit3A_332 = arith.constant -1.000000e+00 : f32
    %broadcast_in_dim3A_333 = vector.broadcast %jit3A_332 : f32 to vector<32x64xf32>
    %select_n3A_334 = arith.select %eq3A_331, %broadcast_in_dim3A_333, %select_n3A_306 : vector<32x64xi1>, vector<32x64xf32>
    %reduce_max3A_335 = arith.constant dense<0xFF800000> : vector<32xf32>
    %reduce_max3A_336 = vector.multi_reduction <maximumf>, %select_n3A_334, %reduce_max3A_335 [1] : vector<32x64xf32> to vector<32xf32>
    %broadcast_in_dim3A_337 = vector.shape_cast %reduce_max3A_336 : vector<32xf32> to vector<32x1xf32>
    %eq3A_338 = vector.broadcast %broadcast_in_dim3A_337 : vector<32x1xf32> to vector<32x64xf32>
    %eq3A_339 = arith.cmpf oeq, %select_n3A_334, %eq3A_338 : vector<32x64xf32>
    %jit3A_340 = arith.constant 64 : i32
    %broadcast_in_dim3A_341 = vector.broadcast %jit3A_340 : i32 to vector<32x64xi32>
    %select_n3A_342 = arith.select %eq3A_339, %iota3A_109, %broadcast_in_dim3A_341 : vector<32x64xi1>, vector<32x64xi32>
    %reduce_min3A_343 = arith.constant dense<2147483647> : vector<32xi32>
    %reduce_min3A_344 = vector.multi_reduction <minsi>, %select_n3A_342, %reduce_min3A_343 [1] : vector<32x64xi32> to vector<32xi32>
    %broadcast_in_dim3A_345 = vector.shape_cast %reduce_min3A_344 : vector<32xi32> to vector<32x1xi32>
    %mul3A_346 = arith.constant 64 : i32
    %mul3A_347 = vector.broadcast %mul3A_346 : i32 to vector<32x1xi32>
    %mul3A_348 = arith.muli %broadcast_in_dim3A_345, %mul3A_347 : vector<32x1xi32>
    %add3A_349 = vector.broadcast %mul3A_348 : vector<32x1xi32> to vector<32x64xi32>
    %add3A_350 = arith.addi %mul3A_112, %add3A_349 : vector<32x64xi32>
    %add3A_351 = arith.addi %add3A_350, %iota3A_109 : vector<32x64xi32>
    %swap3A_352 = arith.constant 0 : index
    %swap3A_353 = arith.constant 4 : index
    %swap3A_354 = arith.constant 0 : index
    %swap3A_355 = vector.load %arg2[%swap3A_352, %swap3A_353, %swap3A_354] : memref<32x8x128xi32, #tpu.memory_space<vmem>>, vector<32x1x64xi32>
    %swap3A_356 = vector.shape_cast %swap3A_355 : vector<32x1x64xi32> to vector<32x64xi32>
    %swap3A_357 = vector.shape_cast %add3A_351 : vector<32x64xi32> to vector<32x1x64xi32>
    tpu.vector_store %arg2[%swap3A_352, %swap3A_353, %swap3A_354], %swap3A_357 {strides = array<i32>} : memref<32x8x128xi32, #tpu.memory_space<vmem>>, vector<32x1x64xi32>,
    %eq3A_358 = vector.broadcast %broadcast_in_dim3A_345 : vector<32x1xi32> to vector<32x64xi32>
    %eq3A_359 = arith.cmpi eq, %iota3A_109, %eq3A_358 : vector<32x64xi32>
    %jit3A_360 = arith.constant -1.000000e+00 : f32
    %broadcast_in_dim3A_361 = vector.broadcast %jit3A_360 : f32 to vector<32x64xf32>
    %select_n3A_362 = arith.select %eq3A_359, %broadcast_in_dim3A_361, %select_n3A_334 : vector<32x64xi1>, vector<32x64xf32>
    %reduce_max3A_363 = arith.constant dense<0xFF800000> : vector<32xf32>
    %reduce_max3A_364 = vector.multi_reduction <maximumf>, %select_n3A_362, %reduce_max3A_363 [1] : vector<32x64xf32> to vector<32xf32>
    %broadcast_in_dim3A_365 = vector.shape_cast %reduce_max3A_364 : vector<32xf32> to vector<32x1xf32>
    %eq3A_366 = vector.broadcast %broadcast_in_dim3A_365 : vector<32x1xf32> to vector<32x64xf32>
    %eq3A_367 = arith.cmpf oeq, %select_n3A_362, %eq3A_366 : vector<32x64xf32>
    %jit3A_368 = arith.constant 64 : i32
    %broadcast_in_dim3A_369 = vector.broadcast %jit3A_368 : i32 to vector<32x64xi32>
    %select_n3A_370 = arith.select %eq3A_367, %iota3A_109, %broadcast_in_dim3A_369 : vector<32x64xi1>, vector<32x64xi32>
    %reduce_min3A_371 = arith.constant dense<2147483647> : vector<32xi32>
    %reduce_min3A_372 = vector.multi_reduction <minsi>, %select_n3A_370, %reduce_min3A_371 [1] : vector<32x64xi32> to vector<32xi32>
    %broadcast_in_dim3A_373 = vector.shape_cast %reduce_min3A_372 : vector<32xi32> to vector<32x1xi32>
    %mul3A_374 = arith.constant 64 : i32
    %mul3A_375 = vector.broadcast %mul3A_374 : i32 to vector<32x1xi32>
    %mul3A_376 = arith.muli %broadcast_in_dim3A_373, %mul3A_375 : vector<32x1xi32>
    %add3A_377 = vector.broadcast %mul3A_376 : vector<32x1xi32> to vector<32x64xi32>
    %add3A_378 = arith.addi %mul3A_112, %add3A_377 : vector<32x64xi32>
    %add3A_379 = arith.addi %add3A_378, %iota3A_109 : vector<32x64xi32>
    %swap3A_380 = arith.constant 0 : index
    %swap3A_381 = arith.constant 4 : index
    %swap3A_382 = arith.constant 64 : index
    %swap3A_383 = vector.load %arg2[%swap3A_380, %swap3A_381, %swap3A_382] : memref<32x8x128xi32, #tpu.memory_space<vmem>>, vector<32x1x64xi32>
    %swap3A_384 = vector.shape_cast %swap3A_383 : vector<32x1x64xi32> to vector<32x64xi32>
    %swap3A_385 = vector.shape_cast %add3A_379 : vector<32x64xi32> to vector<32x1x64xi32>
    tpu.vector_store %arg2[%swap3A_380, %swap3A_381, %swap3A_382], %swap3A_385 {strides = array<i32>} : memref<32x8x128xi32, #tpu.memory_space<vmem>>, vector<32x1x64xi32>,
    %eq3A_386 = vector.broadcast %broadcast_in_dim3A_373 : vector<32x1xi32> to vector<32x64xi32>
    %eq3A_387 = arith.cmpi eq, %iota3A_109, %eq3A_386 : vector<32x64xi32>
    %jit3A_388 = arith.constant -1.000000e+00 : f32
    %broadcast_in_dim3A_389 = vector.broadcast %jit3A_388 : f32 to vector<32x64xf32>
    %select_n3A_390 = arith.select %eq3A_387, %broadcast_in_dim3A_389, %select_n3A_362 : vector<32x64xi1>, vector<32x64xf32>
    %reduce_max3A_391 = arith.constant dense<0xFF800000> : vector<32xf32>
    %reduce_max3A_392 = vector.multi_reduction <maximumf>, %select_n3A_390, %reduce_max3A_391 [1] : vector<32x64xf32> to vector<32xf32>
    %broadcast_in_dim3A_393 = vector.shape_cast %reduce_max3A_392 : vector<32xf32> to vector<32x1xf32>
    %eq3A_394 = vector.broadcast %broadcast_in_dim3A_393 : vector<32x1xf32> to vector<32x64xf32>
    %eq3A_395 = arith.cmpf oeq, %select_n3A_390, %eq3A_394 : vector<32x64xf32>
    %jit3A_396 = arith.constant 64 : i32
    %broadcast_in_dim3A_397 = vector.broadcast %jit3A_396 : i32 to vector<32x64xi32>
    %select_n3A_398 = arith.select %eq3A_395, %iota3A_109, %broadcast_in_dim3A_397 : vector<32x64xi1>, vector<32x64xi32>
    %reduce_min3A_399 = arith.constant dense<2147483647> : vector<32xi32>
    %reduce_min3A_400 = vector.multi_reduction <minsi>, %select_n3A_398, %reduce_min3A_399 [1] : vector<32x64xi32> to vector<32xi32>
    %broadcast_in_dim3A_401 = vector.shape_cast %reduce_min3A_400 : vector<32xi32> to vector<32x1xi32>
    %mul3A_402 = arith.constant 64 : i32
    %mul3A_403 = vector.broadcast %mul3A_402 : i32 to vector<32x1xi32>
    %mul3A_404 = arith.muli %broadcast_in_dim3A_401, %mul3A_403 : vector<32x1xi32>
    %add3A_405 = vector.broadcast %mul3A_404 : vector<32x1xi32> to vector<32x64xi32>
    %add3A_406 = arith.addi %mul3A_112, %add3A_405 : vector<32x64xi32>
    %add3A_407 = arith.addi %add3A_406, %iota3A_109 : vector<32x64xi32>
    %swap3A_408 = arith.constant 0 : index
    %swap3A_409 = arith.constant 5 : index
    %swap3A_410 = arith.constant 0 : index
    %swap3A_411 = vector.load %arg2[%swap3A_408, %swap3A_409, %swap3A_410] : memref<32x8x128xi32, #tpu.memory_space<vmem>>, vector<32x1x64xi32>
    %swap3A_412 = vector.shape_cast %swap3A_411 : vector<32x1x64xi32> to vector<32x64xi32>
    %swap3A_413 = vector.shape_cast %add3A_407 : vector<32x64xi32> to vector<32x1x64xi32>
    tpu.vector_store %arg2[%swap3A_408, %swap3A_409, %swap3A_410], %swap3A_413 {strides = array<i32>} : memref<32x8x128xi32, #tpu.memory_space<vmem>>, vector<32x1x64xi32>,
    %eq3A_414 = vector.broadcast %broadcast_in_dim3A_401 : vector<32x1xi32> to vector<32x64xi32>
    %eq3A_415 = arith.cmpi eq, %iota3A_109, %eq3A_414 : vector<32x64xi32>
    %jit3A_416 = arith.constant -1.000000e+00 : f32
    %broadcast_in_dim3A_417 = vector.broadcast %jit3A_416 : f32 to vector<32x64xf32>
    %select_n3A_418 = arith.select %eq3A_415, %broadcast_in_dim3A_417, %select_n3A_390 : vector<32x64xi1>, vector<32x64xf32>
    %reduce_max3A_419 = arith.constant dense<0xFF800000> : vector<32xf32>
    %reduce_max3A_420 = vector.multi_reduction <maximumf>, %select_n3A_418, %reduce_max3A_419 [1] : vector<32x64xf32> to vector<32xf32>
    %broadcast_in_dim3A_421 = vector.shape_cast %reduce_max3A_420 : vector<32xf32> to vector<32x1xf32>
    %eq3A_422 = vector.broadcast %broadcast_in_dim3A_421 : vector<32x1xf32> to vector<32x64xf32>
    %eq3A_423 = arith.cmpf oeq, %select_n3A_418, %eq3A_422 : vector<32x64xf32>
    %jit3A_424 = arith.constant 64 : i32
    %broadcast_in_dim3A_425 = vector.broadcast %jit3A_424 : i32 to vector<32x64xi32>
    %select_n3A_426 = arith.select %eq3A_423, %iota3A_109, %broadcast_in_dim3A_425 : vector<32x64xi1>, vector<32x64xi32>
    %reduce_min3A_427 = arith.constant dense<2147483647> : vector<32xi32>
    %reduce_min3A_428 = vector.multi_reduction <minsi>, %select_n3A_426, %reduce_min3A_427 [1] : vector<32x64xi32> to vector<32xi32>
    %broadcast_in_dim3A_429 = vector.shape_cast %reduce_min3A_428 : vector<32xi32> to vector<32x1xi32>
    %mul3A_430 = arith.constant 64 : i32
    %mul3A_431 = vector.broadcast %mul3A_430 : i32 to vector<32x1xi32>
    %mul3A_432 = arith.muli %broadcast_in_dim3A_429, %mul3A_431 : vector<32x1xi32>
    %add3A_433 = vector.broadcast %mul3A_432 : vector<32x1xi32> to vector<32x64xi32>
    %add3A_434 = arith.addi %mul3A_112, %add3A_433 : vector<32x64xi32>
    %add3A_435 = arith.addi %add3A_434, %iota3A_109 : vector<32x64xi32>
    %swap3A_436 = arith.constant 0 : index
    %swap3A_437 = arith.constant 5 : index
    %swap3A_438 = arith.constant 64 : index
    %swap3A_439 = vector.load %arg2[%swap3A_436, %swap3A_437, %swap3A_438] : memref<32x8x128xi32, #tpu.memory_space<vmem>>, vector<32x1x64xi32>
    %swap3A_440 = vector.shape_cast %swap3A_439 : vector<32x1x64xi32> to vector<32x64xi32>
    %swap3A_441 = vector.shape_cast %add3A_435 : vector<32x64xi32> to vector<32x1x64xi32>
    tpu.vector_store %arg2[%swap3A_436, %swap3A_437, %swap3A_438], %swap3A_441 {strides = array<i32>} : memref<32x8x128xi32, #tpu.memory_space<vmem>>, vector<32x1x64xi32>,
    %eq3A_442 = vector.broadcast %broadcast_in_dim3A_429 : vector<32x1xi32> to vector<32x64xi32>
    %eq3A_443 = arith.cmpi eq, %iota3A_109, %eq3A_442 : vector<32x64xi32>
    %jit3A_444 = arith.constant -1.000000e+00 : f32
    %broadcast_in_dim3A_445 = vector.broadcast %jit3A_444 : f32 to vector<32x64xf32>
    %select_n3A_446 = arith.select %eq3A_443, %broadcast_in_dim3A_445, %select_n3A_418 : vector<32x64xi1>, vector<32x64xf32>
    %reduce_max3A_447 = arith.constant dense<0xFF800000> : vector<32xf32>
    %reduce_max3A_448 = vector.multi_reduction <maximumf>, %select_n3A_446, %reduce_max3A_447 [1] : vector<32x64xf32> to vector<32xf32>
    %broadcast_in_dim3A_449 = vector.shape_cast %reduce_max3A_448 : vector<32xf32> to vector<32x1xf32>
    %eq3A_450 = vector.broadcast %broadcast_in_dim3A_449 : vector<32x1xf32> to vector<32x64xf32>
    %eq3A_451 = arith.cmpf oeq, %select_n3A_446, %eq3A_450 : vector<32x64xf32>
    %jit3A_452 = arith.constant 64 : i32
    %broadcast_in_dim3A_453 = vector.broadcast %jit3A_452 : i32 to vector<32x64xi32>
    %select_n3A_454 = arith.select %eq3A_451, %iota3A_109, %broadcast_in_dim3A_453 : vector<32x64xi1>, vector<32x64xi32>
    %reduce_min3A_455 = arith.constant dense<2147483647> : vector<32xi32>
    %reduce_min3A_456 = vector.multi_reduction <minsi>, %select_n3A_454, %reduce_min3A_455 [1] : vector<32x64xi32> to vector<32xi32>
    %broadcast_in_dim3A_457 = vector.shape_cast %reduce_min3A_456 : vector<32xi32> to vector<32x1xi32>
    %mul3A_458 = arith.constant 64 : i32
    %mul3A_459 = vector.broadcast %mul3A_458 : i32 to vector<32x1xi32>
    %mul3A_460 = arith.muli %broadcast_in_dim3A_457, %mul3A_459 : vector<32x1xi32>
    %add3A_461 = vector.broadcast %mul3A_460 : vector<32x1xi32> to vector<32x64xi32>
    %add3A_462 = arith.addi %mul3A_112, %add3A_461 : vector<32x64xi32>
    %add3A_463 = arith.addi %add3A_462, %iota3A_109 : vector<32x64xi32>
    %swap3A_464 = arith.constant 0 : index
    %swap3A_465 = arith.constant 6 : index
    %swap3A_466 = arith.constant 0 : index
    %swap3A_467 = vector.load %arg2[%swap3A_464, %swap3A_465, %swap3A_466] : memref<32x8x128xi32, #tpu.memory_space<vmem>>, vector<32x1x64xi32>
    %swap3A_468 = vector.shape_cast %swap3A_467 : vector<32x1x64xi32> to vector<32x64xi32>
    %swap3A_469 = vector.shape_cast %add3A_463 : vector<32x64xi32> to vector<32x1x64xi32>
    tpu.vector_store %arg2[%swap3A_464, %swap3A_465, %swap3A_466], %swap3A_469 {strides = array<i32>} : memref<32x8x128xi32, #tpu.memory_space<vmem>>, vector<32x1x64xi32>,
    %eq3A_470 = vector.broadcast %broadcast_in_dim3A_457 : vector<32x1xi32> to vector<32x64xi32>
    %eq3A_471 = arith.cmpi eq, %iota3A_109, %eq3A_470 : vector<32x64xi32>
    %jit3A_472 = arith.constant -1.000000e+00 : f32
    %broadcast_in_dim3A_473 = vector.broadcast %jit3A_472 : f32 to vector<32x64xf32>
    %select_n3A_474 = arith.select %eq3A_471, %broadcast_in_dim3A_473, %select_n3A_446 : vector<32x64xi1>, vector<32x64xf32>
    %reduce_max3A_475 = arith.constant dense<0xFF800000> : vector<32xf32>
    %reduce_max3A_476 = vector.multi_reduction <maximumf>, %select_n3A_474, %reduce_max3A_475 [1] : vector<32x64xf32> to vector<32xf32>
    %broadcast_in_dim3A_477 = vector.shape_cast %reduce_max3A_476 : vector<32xf32> to vector<32x1xf32>
    %eq3A_478 = vector.broadcast %broadcast_in_dim3A_477 : vector<32x1xf32> to vector<32x64xf32>
    %eq3A_479 = arith.cmpf oeq, %select_n3A_474, %eq3A_478 : vector<32x64xf32>
    %jit3A_480 = arith.constant 64 : i32
    %broadcast_in_dim3A_481 = vector.broadcast %jit3A_480 : i32 to vector<32x64xi32>
    %select_n3A_482 = arith.select %eq3A_479, %iota3A_109, %broadcast_in_dim3A_481 : vector<32x64xi1>, vector<32x64xi32>
    %reduce_min3A_483 = arith.constant dense<2147483647> : vector<32xi32>
    %reduce_min3A_484 = vector.multi_reduction <minsi>, %select_n3A_482, %reduce_min3A_483 [1] : vector<32x64xi32> to vector<32xi32>
    %broadcast_in_dim3A_485 = vector.shape_cast %reduce_min3A_484 : vector<32xi32> to vector<32x1xi32>
    %mul3A_486 = arith.constant 64 : i32
    %mul3A_487 = vector.broadcast %mul3A_486 : i32 to vector<32x1xi32>
    %mul3A_488 = arith.muli %broadcast_in_dim3A_485, %mul3A_487 : vector<32x1xi32>
    %add3A_489 = vector.broadcast %mul3A_488 : vector<32x1xi32> to vector<32x64xi32>
    %add3A_490 = arith.addi %mul3A_112, %add3A_489 : vector<32x64xi32>
    %add3A_491 = arith.addi %add3A_490, %iota3A_109 : vector<32x64xi32>
    %swap3A_492 = arith.constant 0 : index
    %swap3A_493 = arith.constant 6 : index
    %swap3A_494 = arith.constant 64 : index
    %swap3A_495 = vector.load %arg2[%swap3A_492, %swap3A_493, %swap3A_494] : memref<32x8x128xi32, #tpu.memory_space<vmem>>, vector<32x1x64xi32>
    %swap3A_496 = vector.shape_cast %swap3A_495 : vector<32x1x64xi32> to vector<32x64xi32>
    %swap3A_497 = vector.shape_cast %add3A_491 : vector<32x64xi32> to vector<32x1x64xi32>
    tpu.vector_store %arg2[%swap3A_492, %swap3A_493, %swap3A_494], %swap3A_497 {strides = array<i32>} : memref<32x8x128xi32, #tpu.memory_space<vmem>>, vector<32x1x64xi32>,
    %eq3A_498 = vector.broadcast %broadcast_in_dim3A_485 : vector<32x1xi32> to vector<32x64xi32>
    %eq3A_499 = arith.cmpi eq, %iota3A_109, %eq3A_498 : vector<32x64xi32>
    %jit3A_500 = arith.constant -1.000000e+00 : f32
    %broadcast_in_dim3A_501 = vector.broadcast %jit3A_500 : f32 to vector<32x64xf32>
    %select_n3A_502 = arith.select %eq3A_499, %broadcast_in_dim3A_501, %select_n3A_474 : vector<32x64xi1>, vector<32x64xf32>
    %reduce_max3A_503 = arith.constant dense<0xFF800000> : vector<32xf32>
    %reduce_max3A_504 = vector.multi_reduction <maximumf>, %select_n3A_502, %reduce_max3A_503 [1] : vector<32x64xf32> to vector<32xf32>
    %broadcast_in_dim3A_505 = vector.shape_cast %reduce_max3A_504 : vector<32xf32> to vector<32x1xf32>
    %eq3A_506 = vector.broadcast %broadcast_in_dim3A_505 : vector<32x1xf32> to vector<32x64xf32>
    %eq3A_507 = arith.cmpf oeq, %select_n3A_502, %eq3A_506 : vector<32x64xf32>
    %jit3A_508 = arith.constant 64 : i32
    %broadcast_in_dim3A_509 = vector.broadcast %jit3A_508 : i32 to vector<32x64xi32>
    %select_n3A_510 = arith.select %eq3A_507, %iota3A_109, %broadcast_in_dim3A_509 : vector<32x64xi1>, vector<32x64xi32>
    %reduce_min3A_511 = arith.constant dense<2147483647> : vector<32xi32>
    %reduce_min3A_512 = vector.multi_reduction <minsi>, %select_n3A_510, %reduce_min3A_511 [1] : vector<32x64xi32> to vector<32xi32>
    %broadcast_in_dim3A_513 = vector.shape_cast %reduce_min3A_512 : vector<32xi32> to vector<32x1xi32>
    %mul3A_514 = arith.constant 64 : i32
    %mul3A_515 = vector.broadcast %mul3A_514 : i32 to vector<32x1xi32>
    %mul3A_516 = arith.muli %broadcast_in_dim3A_513, %mul3A_515 : vector<32x1xi32>
    %add3A_517 = vector.broadcast %mul3A_516 : vector<32x1xi32> to vector<32x64xi32>
    %add3A_518 = arith.addi %mul3A_112, %add3A_517 : vector<32x64xi32>
    %add3A_519 = arith.addi %add3A_518, %iota3A_109 : vector<32x64xi32>
    %swap3A_520 = arith.constant 0 : index
    %swap3A_521 = arith.constant 7 : index
    %swap3A_522 = arith.constant 0 : index
    %swap3A_523 = vector.load %arg2[%swap3A_520, %swap3A_521, %swap3A_522] : memref<32x8x128xi32, #tpu.memory_space<vmem>>, vector<32x1x64xi32>
    %swap3A_524 = vector.shape_cast %swap3A_523 : vector<32x1x64xi32> to vector<32x64xi32>
    %swap3A_525 = vector.shape_cast %add3A_519 : vector<32x64xi32> to vector<32x1x64xi32>
    tpu.vector_store %arg2[%swap3A_520, %swap3A_521, %swap3A_522], %swap3A_525 {strides = array<i32>} : memref<32x8x128xi32, #tpu.memory_space<vmem>>, vector<32x1x64xi32>,
    %eq3A_526 = vector.broadcast %broadcast_in_dim3A_513 : vector<32x1xi32> to vector<32x64xi32>
    %eq3A_527 = arith.cmpi eq, %iota3A_109, %eq3A_526 : vector<32x64xi32>
    %jit3A_528 = arith.constant -1.000000e+00 : f32
    %broadcast_in_dim3A_529 = vector.broadcast %jit3A_528 : f32 to vector<32x64xf32>
    %select_n3A_530 = arith.select %eq3A_527, %broadcast_in_dim3A_529, %select_n3A_502 : vector<32x64xi1>, vector<32x64xf32>
    %reduce_max3A_531 = arith.constant dense<0xFF800000> : vector<32xf32>
    %reduce_max3A_532 = vector.multi_reduction <maximumf>, %select_n3A_530, %reduce_max3A_531 [1] : vector<32x64xf32> to vector<32xf32>
    %broadcast_in_dim3A_533 = vector.shape_cast %reduce_max3A_532 : vector<32xf32> to vector<32x1xf32>
    %eq3A_534 = vector.broadcast %broadcast_in_dim3A_533 : vector<32x1xf32> to vector<32x64xf32>
    %eq3A_535 = arith.cmpf oeq, %select_n3A_530, %eq3A_534 : vector<32x64xf32>
    %jit3A_536 = arith.constant 64 : i32
    %broadcast_in_dim3A_537 = vector.broadcast %jit3A_536 : i32 to vector<32x64xi32>
    %select_n3A_538 = arith.select %eq3A_535, %iota3A_109, %broadcast_in_dim3A_537 : vector<32x64xi1>, vector<32x64xi32>
    %reduce_min3A_539 = arith.constant dense<2147483647> : vector<32xi32>
    %reduce_min3A_540 = vector.multi_reduction <minsi>, %select_n3A_538, %reduce_min3A_539 [1] : vector<32x64xi32> to vector<32xi32>
    %broadcast_in_dim3A_541 = vector.shape_cast %reduce_min3A_540 : vector<32xi32> to vector<32x1xi32>
    %mul3A_542 = arith.constant 64 : i32
    %mul3A_543 = vector.broadcast %mul3A_542 : i32 to vector<32x1xi32>
    %mul3A_544 = arith.muli %broadcast_in_dim3A_541, %mul3A_543 : vector<32x1xi32>
    %add3A_545 = vector.broadcast %mul3A_544 : vector<32x1xi32> to vector<32x64xi32>
    %add3A_546 = arith.addi %mul3A_112, %add3A_545 : vector<32x64xi32>
    %add3A_547 = arith.addi %add3A_546, %iota3A_109 : vector<32x64xi32>
    %swap3A_548 = arith.constant 0 : index
    %swap3A_549 = arith.constant 7 : index
    %swap3A_550 = arith.constant 64 : index
    %swap3A_551 = vector.load %arg2[%swap3A_548, %swap3A_549, %swap3A_550] : memref<32x8x128xi32, #tpu.memory_space<vmem>>, vector<32x1x64xi32>
    %swap3A_552 = vector.shape_cast %swap3A_551 : vector<32x1x64xi32> to vector<32x64xi32>
    %swap3A_553 = vector.shape_cast %add3A_547 : vector<32x64xi32> to vector<32x1x64xi32>
    tpu.vector_store %arg2[%swap3A_548, %swap3A_549, %swap3A_550], %swap3A_553 {strides = array<i32>} : memref<32x8x128xi32, #tpu.memory_space<vmem>>, vector<32x1x64xi32>,
    return
  }
}

</mosaic_0001>

<sc_bundles>
// kernel: kernel.4.cloned.1.call-start
scs
__scs_entry_jumppad:
0x0: {  	(pc) =	sbr.rel $0x88, $3  }
0x1: {  	(tag) =	ssettag $0x0;
	lr =	simm.s32 $0x1  }
0x2: {  	[smem:$0x3F9D] =	sst lr;
	_ =	strace $0xD0000000  }
0x3: {  	_ = 	snop  }
0x4: {  	_ = 	snop  }
0x5: {  	_ = 	snop  }
0x6: {  	_ = 	snop  }
0x7: {  	_ = 	snop  }
__scs_overlays_trampoline_lowered:
0x8: {  	[smem:$0x3FAC] =	sst s0  }
0x9: {  	[smem:$0x3FAD] =	sst s1  }
0xa: {  	[smem:$0x3FAE] =	sst s2  }
0xb: {  	[smem:$0x3FAF] =	sst s3  }
0xc: {  	[smem:$0x3FB0] =	sst s4  }
0xd: {  	[smem:$0x3FB1] =	sst s5  }
0xe: {  	[smem:$0x3FB2] =	sst s6  }
0xf: {  	[smem:$0x3FB3] =	sst s7  }
0x10: {  	[smem:$0x3FB4] =	sst s8  }
0x11: {  	[smem:$0x3FB5] =	sst s9;
	s0 =	simm.s32 @!p0 $0x0  }
0x12: {  	s1 =	sld [smem:$0x3F9B];
	s0 =	simm.s32 @p0 $0x1  }
0x13: {  	[smem:$0x3FB6] =	sst s0;
	s0 =	simm.s32 @!p1 $0x0  }
0x14: {  	s2 =	sld [smem:$0x3F9A];
	s0 =	simm.s32 @p1 $0x1  }
0x15: {  	[smem:$0x3FB7] =	sst s0;
	s0 =	simm.s32 @!p2 $0x0  }
0x16: {  	s3 =	sld [smem:$0x3FDB];
	s0 =	simm.s32 @p2 $0x1  }
0x17: {  	s4 =	simm.s32 $0x1BF5;
	[smem:$0x3FB9] =	sst s0  }
0x18: {  	s0 =	sld [smem:$0x3F9C];
	_ =	swait.ge [sflag:s4], $0x0  }
0x19: {  	s7 =	sld [smem:$0x3F9D]  }
0x1a: {  	s8 =	sadd.s32 $0xFFFFE003, lr  }
0x1b: {  	s9 =	sadd.s32 $0xFFFFFEF7, lr;
	s5 =	simm.s32 $0xFFFFFFFF;
	p2 =	slt.u32 s8, $0xFFFFF086  }
0x1c: {  	p1 =	slt.u32 s9, $0xF7A;
	s5 =	simm.s32 @!p2 $0x0  }
0x1d: {  	s5 =	simm.s32 @p1 $0x1;
	p0 =	seq.s32 s7, s2  }
0x1e: {  	s7 =	smul.u32 @!p0 $0xF7A, s2;
	p2 =	seq.s32 @!p0 s5, $0x0  }
0x1f: {  	s9 =	smul.u32 $0xF7A, s1;
	s8 =	simm.s32 @!p0 $0x1BF5;
	p2 =	por !p2, p0  }
0x20: {  	[sflag:s8] =	ssyncset.s32 @!p0 $0xFFFFF086;
	s6 =	sadd.s32 @!p0 s3, s7;
	s7 =	simm.s32 @!p0 $0x108  }
0x21: {  	s3 =	sadd.s32 s3, s9;
	s6 =	sadd.s32 @!p0 $0x88, s6;
	s7 =	simm.s32 @p2 $0x1082  }
0x22: {  	[simem:s7], [sflag:s8] =	dma.local @!p0 [hbm:s6], $0xF7A  }
0x23: {  	s9 =	sor.u32 $0xD0000000, s2;
	s6 =	simm.s32 $0x108;
	_ =	swait.ge @!p0 [sflag:s8], $0x0  }
0x24: {  	s3 =	sadd.s32 $0x88, s3;
	s6 =	simm.s32 @!p1 $0x1082;
	[sflag:s4] =	ssyncset.s32 $0xFFFFF086  }
0x25: {  	[simem:s6], [sflag:s4] =	dma.local [hbm:s3], $0xF7A  }
0x26: {  	[smem:$0x3F9D] =	sst s1;
	(tag) =	ssettag s2;
	_ =	strace s9  }
0x27: {  	s1 =	sld [smem:$0x3FAD]  }
0x28: {  	s2 =	sld [smem:$0x3FAE]  }
0x29: {  	s4 =	sld [smem:$0x3FB0]  }
0x2a: {  	p0 =	seq.s32 s5, $0x0;
	s5 =	sld [smem:$0x3FB1]  }
0x2b: {  	s6 =	sld [smem:$0x3FB2]  }
0x2c: {  	s7 =	sld [smem:$0x3FB3]  }
0x2d: {  	s3 =	simm.s32 $0x108;
	s8 =	sld [smem:$0x3FB4]  }
0x2e: {  	s3 =	simm.s32 @!p0 $0x1082;
	s9 =	sld [smem:$0x3FB5]  }
0x2f: {  	lr =	sadd.s32 s0, s3;
	s0 =	sld [smem:$0x3FAC]  }
0x30: {  	s3 =	sld [smem:$0x3FAF]  }
0x31: {  	[smem:$0x3FB8] =	sst s10  }
0x32: {  	s10 =	sld [smem:$0x3FB6];
	_ =	sdelay $0x3  }
0x33: {  	p0 =	seq.s32 s10, $0x1;
	s10 =	sld [smem:$0x3FB8];
	_ =	sdelay $0x3  }
0x34: {  	[smem:$0x3FB8] =	sst s10  }
0x35: {  	s10 =	sld [smem:$0x3FB7];
	_ =	sdelay $0x3  }
0x36: {  	p1 =	seq.s32 s10, $0x1;
	s10 =	sld [smem:$0x3FB8];
	_ =	sdelay $0x3  }
0x37: {  	[smem:$0x3FB8] =	sst s10  }
0x38: {  	s10 =	sld [smem:$0x3FB9]  }
0x39: {  	_ = 	snop;
	(pc) =	sbr.ind lr, $3  }
0x3a: {  	_ = 	snop  }
0x3b: {  	_ = 	snop  }
0x3c: {  	p2 =	seq.s32 s10, $0x1;
	s10 =	sld [smem:$0x3FB8]  }
0x3d: {  	_ =	shalt  }
0x3e: {  	_ =	shalt  }
0x3f: {  	_ =	shalt  }
0x40: {  	_ =	shalt  }
0x41: {  	_ =	shalt  }
0x42: {  	_ =	shalt  }
0x43: {  	_ =	shalt  }
0x44: {  	_ =	shalt  }
0x45: {  	_ =	shalt  }
0x46: {  	_ =	shalt  }
0x47: {  	_ =	shalt  }
0x48: {  	_ =	shalt  }
0x49: {  	_ =	shalt  }
0x4a: {  	_ =	shalt  }
0x4b: {  	_ =	shalt  }
0x4c: {  	_ =	shalt  }
0x4d: {  	_ =	shalt  }
0x4e: {  	_ =	shalt  }
0x4f: {  	_ =	shalt  }
0x50: {  	_ =	shalt  }
0x51: {  	_ =	shalt  }
0x52: {  	_ =	shalt  }
0x53: {  	_ =	shalt  }
0x54: {  	_ =	shalt  }
0x55: {  	_ =	shalt  }
0x56: {  	_ =	shalt  }
0x57: {  	_ =	shalt  }
0x58: {  	_ =	shalt  }
0x59: {  	_ =	shalt  }
0x5a: {  	_ =	shalt  }
0x5b: {  	_ =	shalt  }
0x5c: {  	_ =	shalt  }
0x5d: {  	_ =	shalt  }
0x5e: {  	_ =	shalt  }
0x5f: {  	_ =	shalt  }
0x60: {  	_ =	shalt  }
0x61: {  	_ =	shalt  }
0x62: {  	_ =	shalt  }
0x63: {  	_ =	shalt  }
0x64: {  	_ =	shalt  }
0x65: {  	_ =	shalt  }
0x66: {  	_ =	shalt  }
0x67: {  	_ =	shalt  }
0x68: {  	_ =	shalt  }
0x69: {  	_ =	shalt  }
0x6a: {  	_ =	shalt  }
0x6b: {  	_ =	shalt  }
0x6c: {  	_ =	shalt  }
0x6d: {  	_ =	shalt  }
0x6e: {  	_ =	shalt  }
0x6f: {  	_ =	shalt  }
0x70: {  	_ =	shalt  }
0x71: {  	_ =	shalt  }
0x72: {  	_ =	shalt  }
0x73: {  	_ =	shalt  }
0x74: {  	_ =	shalt  }
0x75: {  	_ =	shalt  }
0x76: {  	_ =	shalt  }
0x77: {  	_ =	shalt  }
0x78: {  	_ =	shalt  }
0x79: {  	_ =	shalt  }
0x7a: {  	_ =	shalt  }
0x7b: {  	_ =	shalt  }
0x7c: {  	_ =	shalt  }
0x7d: {  	_ =	shalt  }
0x7e: {  	_ =	shalt  }
0x7f: {  	_ =	shalt  }
0x80: {  	_ =	shalt  }
0x81: {  	_ =	shalt  }
0x82: {  	_ =	shalt  }
0x83: {  	_ =	shalt  }
0x84: {  	_ =	shalt  }
0x85: {  	_ =	shalt  }
0x86: {  	_ =	shalt  }
0x87: {  	_ =	shalt  }
.Lfunc_end0:
.L_simem_size_0:
called_computation_lowered:
.L_overlay_start_0:
0x88: {  	s2 =	sld [smem:$0x3FD9]  }
0x89: {  	s3 =	sld [smem:$0x3FFE];
	_ =	sdelay $0x1  }
0x8a: {  	s1 =	srdreg.scid  }
0x8b: {  	s0 =	sand.u32 $0x1, s1  }
0x8c: {  	s14 =	sshll.u32 s0, $0xA;
	s2 =	sadd.s32 s3, s2  }
0x8d: {  	s2 =	sadd.s32 s2, s14  }
0x8e: {  	[smem:$0x3FC4] =	sst s2  }
0x8f: {  	_ = 	snop  }
0x90: {  	s2 =	sld [smem:$0x3FD0];
	_ =	sdelay $0x1  }
0x91: {  	s15 =	sld [smem:$0x3FC7]  }
0x92: {  	s5 =	simm.s32 $0xA;
	s6 =	simm.s32 $0x10;
	s4 =	sld [smem:$0x3FC6]  }
0x93: {  	[smem:s6], [sflag:s5] =	dma.local [hbm:s2], $0x1  }
0x94: {  	_ =	swait.eq [sflag:s5], $0x1  }
0x95: {  	[sflag:s5] =	ssyncset.done $0x0  }
0x96: {  	s16 =	sld [smem:$0x10];
	[sflag:s5] =	ssyncadd.s32 $0xFFFFFFFF  }
0x97: {  	s17 =	sld [smem:$0x11];
	(tm) =	ssettm $0x1  }
0x98: {  	s18 =	sld [smem:$0x3FFB];
	_ =	sdelay $0x3  }
0x99: {  	_ =	strace s18  }
0x9a: {  	s6 =	sld [smem:$0x3FFC];
	_ =	sdelay $0x3  }
0x9b: {  	_ =	strace s6  }
0x9c: {  	s6 =	sld [smem:$0x3FFD];
	_ =	sdelay $0x3  }
0x9d: {  	_ =	strace s6  }
0x9e: {  	_ =	strace $0x8FFFFFFF  }
0x9f: {  	s19 =	sld [smem:$0x3FDB];
	_ =	sdelay $0x1  }
0xa0: {  	s7 =	simm.s32 $_scs_section_size  }
0xa1: {  	s8 =	simm.s32 $_size__tile_overlayer_lowered;
	s9 =	simm.s32 $_tile_overlayer_lowered  }
0xa2: {  	s22 =	simm.s32 $0x1BFF;
	s21 =	sshll.u32 s9, $0x1;
	s6 =	sadd.s32 s7, s19  }
0xa3: {  	s10 =	simm.s32 $0x0;
	s20 =	sshll.u32 s8, $0x1;
	s8 =	sadd.s32 s21, s6  }
0xa4: {  	[timem:s10], [sflag:s22] =	dma.local [hbm:s8], s20  }
0xa5: {  	_ =	swait.ge [sflag:s22], s20  }
0xa6: {  	s7 =	ssub.s32 $0x0, s20;
	[sflag:s22] =	ssyncset.done $0x0  }
0xa7: {  	[sflag:s22] =	ssyncadd.s32 s7;
	_ =	sdelay $0x1  }
0xa8: {  	s23 =	simm.s32 $0x1B8B  }
0xa9: {  	_ =	swait.ge [sflag:s23], $0x1  }
0xaa: {  	[sflag:s23] =	ssyncset.done $0x0  }
0xab: {  	s25 =	simm.s32 $0x1B8E;
	s24 =	sld [smem:$0x3FFE];
	[sflag:s23] =	ssyncadd.s32 $0xFFFFFFFF  }
0xac: {  	s26 =	simm.s32 $execute0_lowered;
	[smem:$0x3FD2] =	sst s25  }
0xad: {  	s8 =	sshll.u32 s26, $0x1;
	_ =	strace $0x80000046;
	[dreg:$0x1] =	wrdreg $0xFFFFFFFF  }
0xae: {  	s28 =	simm.s32 $_size_execute0_lowered;
	s6 =	sadd.s32 s6, s8;
	[dreg:$0x0] =	wrdreg $0x0  }
0xaf: {  	s8 =	sshll.u32 s28, $0x1;
	[dreg:$0x2] =	wrdreg s6  }
0xb0: {  	[dreg:$0x3] =	wrdreg s8  }
0xb1: {  	[dreg:$0x4] =	wrdreg $0xC0  }
0xb2: {  	_ =	task [dreg:s10], $0x5FFFF  }
0xb3: {  	[dreg:$0x1] =	wrdreg $0xFFFFFFFF  }
0xb4: {  	[dreg:$0x0] =	wrdreg $0x60  }
0xb5: {  	[dreg:$0x2] =	wrdreg s15  }
0xb6: {  	[dreg:$0x3] =	wrdreg s4  }
0xb7: {  	[dreg:$0x4] =	wrdreg s24  }
0xb8: {  	[dreg:$0x5] =	wrdreg s16  }
0xb9: {  	[dreg:$0x6] =	wrdreg s17  }
0xba: {  	[dreg:$0x7] =	wrdreg $0x9  }
0xbb: {  	_ =	task.clear_ibuf [dreg:s10], $0x8FFFF;
	_ =	strace $0x90000046  }
0xbc: {  	s29 =	simm.s32 $0x9;
	_ =	strace $0x80000048  }
0xbd: {  	_ =	swait.ge [sflag:s29], $0x1  }
0xbe: {  	[sflag:s29] =	ssyncadd.s32 $0xFFFFFFFF  }
0xbf: {  	_ =	strace $0x90000048  }
0xc0: {  	_ =	sfence  }
0xc1: {  	s30 =	sld [smem:$0x0];
	_ =	sdelay $0x2  }
0xc2: {  	s31 =	sshll.u32 s1, $0xD;
	s1 =	sshrl.u32 s1, $0x2  }
0xc3: {  	s3 =	sand.u32 $0x4000, s31;
	s1 =	sadd.s32 s1, s30  }
0xc4: {  	s0 =	sor.u32 s3, s0;
	s1 =	sshll.u32 s1, $0x11  }
0xc5: {  	s0 =	sor.u32 s1, s0  }
0xc6: {  	s0 =	sadd.s32 $0x8F2B, s0  }
0xc7: {  	[sflag:s0] =	ssyncadd.remote.s32 $0x1  }
0xc8: {  	_ =	sfence.sel $0xFFFF  }
0xc9: {  	[dreg:$0x0] =	wrdreg $0xFFFFFFFF;
	(pc) =	sbr.abs _section_cstart, $3  }
0xca: {  	[dreg:$0x1] =	wrdreg $0xFFFFFFFF  }
0xcb: {  	_ =	task.clear_ibuf [dreg:s10], $0x2FFFF;
	_ =	strace $0x9FFFFFFF  }
0xcc: {  	(tm) =	ssettm $0x7FFFFFFF  }
0xcd: {  	_ =	shalt  }
tec
execute0_lowered:
.L_overlay_start_1:
0x0: {  	(tag) =	ssettag $0x1  }
0x1: {  	s4 =	rddreg [dreg:$0x0]  }
0x2: {  	s3 =	rddreg [dreg:$0x1]  }
0x3: {  	s1 =	rddreg [dreg:$0x2]  }
0x4: {  	s0 =	srdreg.scid;
	s5 =	rddreg [dreg:$0x3]  }
0x5: {  	s2 =	stileid.u32;
	s7 =	rddreg [dreg:$0x4];
	s0 =	sand.u32 $0x1, s0  }
0x6: {  	p0 =	por $0x0, $0x0;
	s2 =	sshll.u32 s2, $0xB;
	s6 =	sshll.u32 s0, $0xA  }
0x7: {  	s31 =	simm.s32 $0x380;
	s0 =	ssub.s32 $0x2, s0;
	s6 =	sor.u32 s6, s2  }
0x8: {  	s2 =	simm.s32 $0x0;
	s8 =	sshrl.u32 s6, $0x3;
	s6 =	sshll.u32 s6, $0x4  }
0x9: {  	[smem:$0x7FF] =	sst s2;
	s1 =	sadd.s32 s8, s1;
	s24 =	sadd.s32 s5, s6  }
0xa: {  	_ =	strace $0x80000047;
	s25 =	sadd.s32 s7, s6;
	[dreg:$0x7] =	wrdreg s24  }
0xb: {  	s26 =	sor.u32 $0x800, s6;
	s1 =	sadd.s32 $0xE00, s1;
	[dreg:$0x8] =	wrdreg s25  }
0xc: {  	s10 =	sor.u32 $0x1000, s6;
	s29 =	sadd.s32 s5, s26;
	[dreg:$0x6] =	wrdreg s1  }
0xd: {  	s13 =	sor.u32 $0x1800, s6;
	s9 =	sadd.s32 s7, s26;
	[dreg:$0x9] =	wrdreg s29  }
0xe: {  	s16 =	sor.u32 $0x2000, s6;
	s11 =	sadd.s32 s5, s10;
	[dreg:$0xa] =	wrdreg s9  }
0xf: {  	s19 =	sor.u32 $0x2800, s6;
	s12 =	sadd.s32 s7, s10;
	[dreg:$0xb] =	wrdreg s11  }
0x10: {  	s22 =	sor.u32 $0x3000, s6;
	s14 =	sadd.s32 s5, s13;
	[dreg:$0xc] =	wrdreg s12  }
0x11: {  	s6 =	sor.u32 $0x3800, s6;
	s15 =	sadd.s32 s7, s13;
	[dreg:$0xd] =	wrdreg s14  }
0x12: {  	s8 =	simm.s32 $0x400;
	s17 =	sadd.s32 s5, s16;
	[dreg:$0xe] =	wrdreg s15  }
0x13: {  	s18 =	sadd.s32 s7, s16;
	s20 =	sadd.s32 s5, s19;
	[dreg:$0xf] =	wrdreg s17  }
0x14: {  	s21 =	sadd.s32 s7, s19;
	s23 =	sadd.s32 s5, s22;
	[dreg:$0x10] =	wrdreg s18  }
0x15: {  	s24 =	sadd.s32 s7, s22;
	s25 =	sshrl.u32 s0, $0x1;
	[dreg:$0x11] =	wrdreg s20  }
0x16: {  	s26 =	sadd.s32 s5, s6;
	s19 =	simm.s32 $0xC400;
	[dreg:$0x12] =	wrdreg s21  }
0x17: {  	s10 =	simm.s32 $0x1;
	s16 =	simm.s32 $0x18400;
	[dreg:$0x13] =	wrdreg s23  }
0x18: {  	s5 =	simm.s32 $0x9;
	s22 =	simm.s32 $0x7;
	[dreg:$0x14] =	wrdreg s24  }
0x19: {  	s13 =	simm.s32 $0xD;
	s0 =	ssub.s32 s0, s25;
	[dreg:$0x15] =	wrdreg s26  }
0x1a: {  	s29 =	sadd.s32 s7, s6;
	s20 =	simm.s32 $0x80;
	s7 =	simm.s32 $0x4400  }
0x1b: {  	s21 =	simm.s32 $0x8400;
	s18 =	simm.s32 $0x10400;
	s12 =	smax.u32 s0, $0x1  }
0x1c: {  	s17 =	simm.s32 $0x14400;
	s9 =	simm.s32 $0x2;
	p1 =	sne.s32 s12, $0x1  }
.Ltmp0:
0x1d: {  	s6 =	simm.s32 $0x8;
	s26 =	simm.s32 $0x3;
	(pc) =	sbr.rel @!p1 .LBB2_3-.Ltmp0, $4  }
0x1e: {  	s25 =	simm.s32 $0x4;
	s11 =	simm.s32 $0xA;
	s23 =	simm.s32 $0x5  }
0x1f: {  	s14 =	simm.s32 $0xB;
	s24 =	simm.s32 $0x6;
	s15 =	simm.s32 $0xC  }
0x20: {  	s1 =	simm.s32 $0x300;
	[dreg:$0x16] =	wrdreg s29;
	s0 =	simm.s32 $0xF  }
0x21: {  	s30 =	rddreg [dreg:$0x6];
	s28 =	sadd.s32 $0xFFFFFFFF, s12;
	s12 =	simm.s32 $0xE  }
0x22: {  	[tilespmem:s2], [sflag:$0xF] =	stream.linear.gather [hbm4b:s30+s2], $0x400, $0x38;
	[tilespmem:$0x1C400] =	vst v63  }
0x23: {  	_ =	swait.ge [sflag:s0], $0x400  }
0x24: {  	[sflag:s0] =	ssyncset.done $0x0  }
0x25: {  	[sflag:s0] =	ssyncadd.s32 $0xFFFFFC00  }
0x26: {  	[tilespmem:s8], [sflag:$0x1] =	stream.indirect.gather [hbm4b:s4+s20], $0x80, s2, s20, $0xb8;
	[tilespmem:$0x1C400] =	vst v63  }
0x27: {  	_ = 	snop  }
0x28: {  	[tilespmem:s7], [sflag:$0x2] =	stream.indirect.gather [hbm4b:s3+s20], $0x80, s2, s20, $0xb8;
	[tilespmem:$0x1C400] =	vst v63  }
0x29: {  	_ = 	snop  }
0x2a: {  	[tilespmem:s21], [sflag:$0x3] =	stream.indirect.gather [hbm4b:s4+s20], $0x80, s20, s20, $0xb8;
	[tilespmem:$0x1C400] =	vst v63  }
0x2b: {  	_ = 	snop  }
0x2c: {  	[tilespmem:s19], [sflag:$0x4] =	stream.indirect.gather [hbm4b:s3+s20], $0x80, s20, s20, $0xb8;
	[tilespmem:$0x1C400] =	vst v63  }
0x2d: {  	s30 =	simm.s32 $0x100  }
0x2e: {  	[tilespmem:s18], [sflag:$0x5] =	stream.indirect.gather [hbm4b:s4+s20], $0x80, s30, s20, $0xb8;
	[tilespmem:$0x1C400] =	vst v63  }
0x2f: {  	_ = 	snop  }
0x30: {  	[tilespmem:s17], [sflag:$0x6] =	stream.indirect.gather [hbm4b:s3+s20], $0x80, s30, s20, $0xb8;
	[tilespmem:$0x1C400] =	vst v63  }
0x31: {  	_ =	swait.ge [sflag:s10], $0x4000  }
0x32: {  	[sflag:s10] =	ssyncset.done $0x0  }
0x33: {  	s30 =	rddreg [dreg:$0x7];
	[sflag:s10] =	ssyncadd.s32 $0xFFFFC000  }
0x34: {  	[hbm4b:s30+s2] =	stream.linear.scatter [tilespmem:s8], [sflag:$0x8], $0x4000, $0x38;
	[tilespmem:$0x1C400] =	vst v63  }
0x35: {  	s29 =	simm.s32 $0x180  }
0x36: {  	[tilespmem:s16], [sflag:$0x7] =	stream.indirect.gather [hbm4b:s4+s20], $0x80, s29, s20, $0xb8;
	[tilespmem:$0x1C400] =	vst v63  }
0x37: {  	_ =	swait.ge [sflag:s9], $0x4000  }
0x38: {  	[sflag:s9] =	ssyncset.done $0x0  }
0x39: {  	s30 =	rddreg [dreg:$0x8];
	[sflag:s9] =	ssyncadd.s32 $0xFFFFC000  }
0x3a: {  	[hbm4b:s30+s2] =	stream.linear.scatter [tilespmem:s7], [sflag:$0x9], $0x4000, $0x38;
	[tilespmem:$0x1C400] =	vst v63  }
0x3b: {  	_ =	swait.ge [sflag:s6], $0x4000  }
0x3c: {  	[sflag:s6] =	ssyncset.done $0x0  }
0x3d: {  	[sflag:s6] =	ssyncadd.s32 $0xFFFFC000  }
0x3e: {  	[tilespmem:s8], [sflag:$0x1] =	stream.indirect.gather [hbm4b:s3+s20], $0x80, s29, s20, $0xb8;
	[tilespmem:$0x1C400] =	vst v63  }
0x3f: {  	_ =	swait.ge [sflag:s26], $0x4000  }
0x40: {  	[sflag:s26] =	ssyncset.done $0x0  }
0x41: {  	s30 =	rddreg [dreg:$0x9];
	[sflag:s26] =	ssyncadd.s32 $0xFFFFC000  }
0x42: {  	[hbm4b:s30+s2] =	stream.linear.scatter [tilespmem:s21], [sflag:$0xA], $0x4000, $0x38;
	[tilespmem:$0x1C400] =	vst v63  }
0x43: {  	_ =	swait.ge [sflag:s5], $0x4000  }
0x44: {  	[sflag:s5] =	ssyncset.done $0x0  }
0x45: {  	s29 =	smov.u32 s28;
	s28 =	simm.s32 $0x200;
	[sflag:s5] =	ssyncadd.s32 $0xFFFFC000  }
0x46: {  	[tilespmem:s7], [sflag:$0x2] =	stream.indirect.gather [hbm4b:s4+s20], $0x80, s28, s20, $0xb8;
	[tilespmem:$0x1C400] =	vst v63  }
0x47: {  	_ =	swait.ge [sflag:s25], $0x4000  }
0x48: {  	[sflag:s25] =	ssyncset.done $0x0  }
0x49: {  	s30 =	rddreg [dreg:$0xa];
	[sflag:s25] =	ssyncadd.s32 $0xFFFFC000  }
0x4a: {  	[hbm4b:s30+s2] =	stream.linear.scatter [tilespmem:s19], [sflag:$0xB], $0x4000, $0x38;
	[tilespmem:$0x1C400] =	vst v63  }
0x4b: {  	_ =	swait.ge [sflag:s11], $0x4000  }
0x4c: {  	[sflag:s11] =	ssyncset.done $0x0  }
0x4d: {  	[sflag:s11] =	ssyncadd.s32 $0xFFFFC000  }
0x4e: {  	[tilespmem:s21], [sflag:$0x3] =	stream.indirect.gather [hbm4b:s3+s20], $0x80, s28, s20, $0xb8;
	[tilespmem:$0x1C400] =	vst v63  }
0x4f: {  	_ =	swait.ge [sflag:s23], $0x4000  }
0x50: {  	[sflag:s23] =	ssyncset.done $0x0  }
0x51: {  	s30 =	rddreg [dreg:$0xb];
	[sflag:s23] =	ssyncadd.s32 $0xFFFFC000  }
0x52: {  	[hbm4b:s30+s2] =	stream.linear.scatter [tilespmem:s18], [sflag:$0xC], $0x4000, $0x38;
	[tilespmem:$0x1C400] =	vst v63  }
0x53: {  	_ =	swait.ge [sflag:s14], $0x4000  }
0x54: {  	[sflag:s14] =	ssyncset.done $0x0  }
0x55: {  	s28 =	simm.s32 $0x280;
	[sflag:s14] =	ssyncadd.s32 $0xFFFFC000  }
0x56: {  	[tilespmem:s19], [sflag:$0x4] =	stream.indirect.gather [hbm4b:s4+s20], $0x80, s28, s20, $0xb8;
	[tilespmem:$0x1C400] =	vst v63  }
0x57: {  	_ =	swait.ge [sflag:s24], $0x4000  }
0x58: {  	[sflag:s24] =	ssyncset.done $0x0  }
0x59: {  	s30 =	rddreg [dreg:$0xc];
	[sflag:s24] =	ssyncadd.s32 $0xFFFFC000  }
0x5a: {  	[hbm4b:s30+s2] =	stream.linear.scatter [tilespmem:s17], [sflag:$0xD], $0x4000, $0x38;
	[tilespmem:$0x1C400] =	vst v63  }
0x5b: {  	_ =	swait.ge [sflag:s15], $0x4000  }
0x5c: {  	[sflag:s15] =	ssyncset.done $0x0  }
0x5d: {  	[sflag:s15] =	ssyncadd.s32 $0xFFFFC000  }
0x5e: {  	[tilespmem:s18], [sflag:$0x5] =	stream.indirect.gather [hbm4b:s3+s20], $0x80, s28, s20, $0xb8;
	[tilespmem:$0x1C400] =	vst v63  }
0x5f: {  	_ =	swait.ge [sflag:s22], $0x4000  }
0x60: {  	[sflag:s22] =	ssyncset.done $0x0  }
0x61: {  	s30 =	rddreg [dreg:$0xd];
	[sflag:s22] =	ssyncadd.s32 $0xFFFFC000  }
0x62: {  	[hbm4b:s30+s2] =	stream.linear.scatter [tilespmem:s16], [sflag:$0xE], $0x4000, $0x38;
	[tilespmem:$0x1C400] =	vst v63  }
0x63: {  	_ =	swait.ge [sflag:s13], $0x4000  }
0x64: {  	[sflag:s13] =	ssyncset.done $0x0  }
0x65: {  	[sflag:s13] =	ssyncadd.s32 $0xFFFFC000  }
0x66: {  	[tilespmem:s17], [sflag:$0x6] =	stream.indirect.gather [hbm4b:s4+s20], $0x80, s1, s20, $0xb8;
	[tilespmem:$0x1C400] =	vst v63  }
0x67: {  	_ =	swait.ge [sflag:s10], $0x4000  }
0x68: {  	[sflag:s10] =	ssyncset.done $0x0  }
0x69: {  	s30 =	rddreg [dreg:$0xe];
	[sflag:s10] =	ssyncadd.s32 $0xFFFFC000  }
0x6a: {  	[hbm4b:s30+s2] =	stream.linear.scatter [tilespmem:s8], [sflag:$0x8], $0x4000, $0x38;
	[tilespmem:$0x1C400] =	vst v63  }
0x6b: {  	_ =	swait.ge [sflag:s12], $0x4000  }
0x6c: {  	[sflag:s12] =	ssyncset.done $0x0  }
0x6d: {  	[sflag:s12] =	ssyncadd.s32 $0xFFFFC000  }
0x6e: {  	[tilespmem:s16], [sflag:$0x7] =	stream.indirect.gather [hbm4b:s3+s20], $0x80, s1, s20, $0xb8;
	[tilespmem:$0x1C400] =	vst v63  }
0x6f: {  	_ =	swait.ge [sflag:s9], $0x4000  }
0x70: {  	[sflag:s9] =	ssyncset.done $0x0  }
0x71: {  	s30 =	rddreg [dreg:$0xf];
	[sflag:s9] =	ssyncadd.s32 $0xFFFFC000  }
0x72: {  	[hbm4b:s30+s2] =	stream.linear.scatter [tilespmem:s7], [sflag:$0x9], $0x4000, $0x38;
	[tilespmem:$0x1C400] =	vst v63  }
0x73: {  	_ =	swait.ge [sflag:s6], $0x4000  }
0x74: {  	[sflag:s6] =	ssyncset.done $0x0  }
0x75: {  	[sflag:s6] =	ssyncadd.s32 $0xFFFFC000  }
0x76: {  	[tilespmem:s8], [sflag:$0x1] =	stream.indirect.gather [hbm4b:s4+s20], $0x80, s31, s20, $0xb8;
	[tilespmem:$0x1C400] =	vst v63  }
0x77: {  	_ =	swait.ge [sflag:s26], $0x4000  }
0x78: {  	[sflag:s26] =	ssyncset.done $0x0  }
0x79: {  	s30 =	rddreg [dreg:$0x10];
	[sflag:s26] =	ssyncadd.s32 $0xFFFFC000  }
0x7a: {  	[hbm4b:s30+s2] =	stream.linear.scatter [tilespmem:s21], [sflag:$0xA], $0x4000, $0x38;
	[tilespmem:$0x1C400] =	vst v63  }
0x7b: {  	_ =	swait.ge [sflag:s5], $0x4000  }
0x7c: {  	[sflag:s5] =	ssyncset.done $0x0  }
0x7d: {  	[sflag:s5] =	ssyncadd.s32 $0xFFFFC000  }
0x7e: {  	[tilespmem:s7], [sflag:$0x2] =	stream.indirect.gather [hbm4b:s3+s20], $0x80, s31, s20, $0xb8;
	[tilespmem:$0x1C400] =	vst v63  }
0x7f: {  	_ =	swait.ge [sflag:s25], $0x4000  }
0x80: {  	[sflag:s25] =	ssyncset.done $0x0  }
0x81: {  	s30 =	rddreg [dreg:$0x11];
	[sflag:s25] =	ssyncadd.s32 $0xFFFFC000  }
0x82: {  	[hbm4b:s30+s2] =	stream.linear.scatter [tilespmem:s19], [sflag:$0xB], $0x4000, $0x38;
	[tilespmem:$0x1C400] =	vst v63  }
0x83: {  	_ =	swait.ge [sflag:s23], $0x4000  }
0x84: {  	[sflag:s23] =	ssyncset.done $0x0  }
0x85: {  	s30 =	rddreg [dreg:$0x12];
	[sflag:s23] =	ssyncadd.s32 $0xFFFFC000  }
0x86: {  	[hbm4b:s30+s2] =	stream.linear.scatter [tilespmem:s18], [sflag:$0xC], $0x4000, $0x38;
	[tilespmem:$0x1C400] =	vst v63  }
0x87: {  	_ =	swait.ge [sflag:s24], $0x4000  }
0x88: {  	[sflag:s24] =	ssyncset.done $0x0  }
0x89: {  	s30 =	rddreg [dreg:$0x13];
	[sflag:s24] =	ssyncadd.s32 $0xFFFFC000  }
0x8a: {  	[hbm4b:s30+s2] =	stream.linear.scatter [tilespmem:s17], [sflag:$0xD], $0x4000, $0x38;
	[tilespmem:$0x1C400] =	vst v63  }
0x8b: {  	_ =	swait.ge [sflag:s22], $0x4000  }
0x8c: {  	[sflag:s22] =	ssyncset.done $0x0  }
0x8d: {  	s30 =	rddreg [dreg:$0x14];
	[sflag:s22] =	ssyncadd.s32 $0xFFFFC000  }
0x8e: {  	[hbm4b:s30+s2] =	stream.linear.scatter [tilespmem:s16], [sflag:$0xE], $0x4000, $0x38;
	[tilespmem:$0x1C400] =	vst v63  }
0x8f: {  	_ =	swait.ge [sflag:s10], $0x4000  }
0x90: {  	[sflag:s10] =	ssyncset.done $0x0  }
0x91: {  	s30 =	rddreg [dreg:$0x15];
	[sflag:s10] =	ssyncadd.s32 $0xFFFFC000  }
0x92: {  	[hbm4b:s30+s2] =	stream.linear.scatter [tilespmem:s8], [sflag:$0x8], $0x4000, $0x38;
	[tilespmem:$0x1C400] =	vst v63  }
0x93: {  	_ =	swait.ge [sflag:s9], $0x4000  }
0x94: {  	[sflag:s9] =	ssyncset.done $0x0  }
0x95: {  	s30 =	rddreg [dreg:$0x16];
	[sflag:s9] =	ssyncadd.s32 $0xFFFFC000  }
0x96: {  	[hbm4b:s30+s2] =	stream.linear.scatter [tilespmem:s7], [sflag:$0x9], $0x4000, $0x38;
	[tilespmem:$0x1C400] =	vst v63  }
0x97: {  	_ =	swait.ge [sflag:s11], $0x4000  }
0x98: {  	[sflag:s11] =	ssyncset.done $0x0  }
0x99: {  	[sflag:s11] =	ssyncadd.s32 $0xFFFFC000  }
0x9a: {  	_ =	swait.ge [sflag:s14], $0x4000  }
0x9b: {  	[sflag:s14] =	ssyncset.done $0x0  }
0x9c: {  	[sflag:s14] =	ssyncadd.s32 $0xFFFFC000  }
0x9d: {  	_ =	swait.ge [sflag:s15], $0x4000  }
0x9e: {  	[sflag:s15] =	ssyncset.done $0x0  }
0x9f: {  	[sflag:s15] =	ssyncadd.s32 $0xFFFFC000  }
0xa0: {  	_ =	swait.ge [sflag:s13], $0x4000  }
0xa1: {  	[sflag:s13] =	ssyncset.done $0x0  }
0xa2: {  	[sflag:s13] =	ssyncadd.s32 $0xFFFFC000  }
0xa3: {  	_ =	swait.ge [sflag:s12], $0x4000  }
0xa4: {  	[sflag:s12] =	ssyncset.done $0x0  }
0xa5: {  	p1 =	sne.s32 s29, $0x1;
	[sflag:s12] =	ssyncadd.s32 $0xFFFFC000  }
.Ltmp1:
0xa6: {  	_ =	swait.ge [sflag:s6], $0x4000;
	(pc) =	sbr.rel @!p1 .LBB2_3-.Ltmp1, $4  }
0xa7: {  	[sflag:s6] =	ssyncset.done $0x0  }
0xa8: {  	[sflag:s6] =	ssyncadd.s32 $0xFFFFC000  }
0xa9: {  	p0 =	por $0x1, $0x1;
	_ =	swait.ge [sflag:s5], $0x4000  }
0xaa: {  	s29 =	sadd.s32 $0xFFFFFFFF, s29;
	s30 =	rddreg [dreg:$0x6];
	[sflag:s5] =	ssyncset.done $0x0  }
.LBB2_2:
0xab: {  	[sflag:s5] =	ssyncadd.s32 $0xFFFFC000  }
0xac: {  	[tilespmem:s2], [sflag:$0xF] =	stream.linear.gather [hbm4b:s30+s2], $0x400, $0x38;
	[tilespmem:$0x1C400] =	vst v63  }
0xad: {  	_ =	swait.ge [sflag:s0], $0x400  }
0xae: {  	[sflag:s0] =	ssyncset.done $0x0  }
0xaf: {  	[sflag:s0] =	ssyncadd.s32 $0xFFFFFC00  }
0xb0: {  	[tilespmem:s8], [sflag:$0x1] =	stream.indirect.gather [hbm4b:s4+s20], $0x80, s2, s20, $0xb8;
	[tilespmem:$0x1C400] =	vst v63  }
0xb1: {  	_ = 	snop  }
0xb2: {  	[tilespmem:s7], [sflag:$0x2] =	stream.indirect.gather [hbm4b:s3+s20], $0x80, s2, s20, $0xb8;
	[tilespmem:$0x1C400] =	vst v63  }
0xb3: {  	_ = 	snop  }
0xb4: {  	[tilespmem:s21], [sflag:$0x3] =	stream.indirect.gather [hbm4b:s4+s20], $0x80, s20, s20, $0xb8;
	[tilespmem:$0x1C400] =	vst v63  }
0xb5: {  	_ = 	snop  }
0xb6: {  	[tilespmem:s19], [sflag:$0x4] =	stream.indirect.gather [hbm4b:s3+s20], $0x80, s20, s20, $0xb8;
	[tilespmem:$0x1C400] =	vst v63  }
0xb7: {  	s30 =	simm.s32 $0x100  }
0xb8: {  	[tilespmem:s18], [sflag:$0x5] =	stream.indirect.gather [hbm4b:s4+s20], $0x80, s30, s20, $0xb8;
	[tilespmem:$0x1C400] =	vst v63  }
0xb9: {  	_ = 	snop  }
0xba: {  	[tilespmem:s17], [sflag:$0x6] =	stream.indirect.gather [hbm4b:s3+s20], $0x80, s30, s20, $0xb8;
	[tilespmem:$0x1C400] =	vst v63  }
0xbb: {  	_ =	swait.ge [sflag:s10], $0x4000  }
0xbc: {  	[sflag:s10] =	ssyncset.done $0x0  }
0xbd: {  	s30 =	rddreg [dreg:$0x7];
	[sflag:s10] =	ssyncadd.s32 $0xFFFFC000  }
0xbe: {  	[hbm4b:s30+s2] =	stream.linear.scatter [tilespmem:s8], [sflag:$0x8], $0x4000, $0x38;
	[tilespmem:$0x1C400] =	vst v63  }
0xbf: {  	s28 =	simm.s32 $0x180  }
0xc0: {  	[tilespmem:s16], [sflag:$0x7] =	stream.indirect.gather [hbm4b:s4+s20], $0x80, s28, s20, $0xb8;
	[tilespmem:$0x1C400] =	vst v63  }
0xc1: {  	_ =	swait.ge [sflag:s9], $0x4000  }
0xc2: {  	[sflag:s9] =	ssyncset.done $0x0  }
0xc3: {  	s30 =	rddreg [dreg:$0x8];
	[sflag:s9] =	ssyncadd.s32 $0xFFFFC000  }
0xc4: {  	[hbm4b:s30+s2] =	stream.linear.scatter [tilespmem:s7], [sflag:$0x9], $0x4000, $0x38;
	[tilespmem:$0x1C400] =	vst v63  }
0xc5: {  	_ =	swait.ge [sflag:s6], $0x4000  }
0xc6: {  	[sflag:s6] =	ssyncset.done $0x0  }
0xc7: {  	[sflag:s6] =	ssyncadd.s32 $0xFFFFC000  }
0xc8: {  	[tilespmem:s8], [sflag:$0x1] =	stream.indirect.gather [hbm4b:s3+s20], $0x80, s28, s20, $0xb8;
	[tilespmem:$0x1C400] =	vst v63  }
0xc9: {  	_ =	swait.ge [sflag:s26], $0x4000  }
0xca: {  	[sflag:s26] =	ssyncset.done $0x0  }
0xcb: {  	s30 =	rddreg [dreg:$0x9];
	[sflag:s26] =	ssyncadd.s32 $0xFFFFC000  }
0xcc: {  	[hbm4b:s30+s2] =	stream.linear.scatter [tilespmem:s21], [sflag:$0xA], $0x4000, $0x38;
	[tilespmem:$0x1C400] =	vst v63  }
0xcd: {  	_ =	swait.ge [sflag:s5], $0x4000  }
0xce: {  	[sflag:s5] =	ssyncset.done $0x0  }
0xcf: {  	s28 =	simm.s32 $0x200;
	[sflag:s5] =	ssyncadd.s32 $0xFFFFC000  }
0xd0: {  	[tilespmem:s7], [sflag:$0x2] =	stream.indirect.gather [hbm4b:s4+s20], $0x80, s28, s20, $0xb8;
	[tilespmem:$0x1C400] =	vst v63  }
0xd1: {  	_ =	swait.ge [sflag:s25], $0x4000  }
0xd2: {  	[sflag:s25] =	ssyncset.done $0x0  }
0xd3: {  	s30 =	rddreg [dreg:$0xa];
	[sflag:s25] =	ssyncadd.s32 $0xFFFFC000  }
0xd4: {  	[hbm4b:s30+s2] =	stream.linear.scatter [tilespmem:s19], [sflag:$0xB], $0x4000, $0x38;
	[tilespmem:$0x1C400] =	vst v63  }
0xd5: {  	_ =	swait.ge [sflag:s11], $0x4000  }
0xd6: {  	[sflag:s11] =	ssyncset.done $0x0  }
0xd7: {  	[sflag:s11] =	ssyncadd.s32 $0xFFFFC000  }
0xd8: {  	[tilespmem:s21], [sflag:$0x3] =	stream.indirect.gather [hbm4b:s3+s20], $0x80, s28, s20, $0xb8;
	[tilespmem:$0x1C400] =	vst v63  }
0xd9: {  	_ =	swait.ge [sflag:s23], $0x4000  }
0xda: {  	[sflag:s23] =	ssyncset.done $0x0  }
0xdb: {  	s30 =	rddreg [dreg:$0xb];
	[sflag:s23] =	ssyncadd.s32 $0xFFFFC000  }
0xdc: {  	[hbm4b:s30+s2] =	stream.linear.scatter [tilespmem:s18], [sflag:$0xC], $0x4000, $0x38;
	[tilespmem:$0x1C400] =	vst v63  }
0xdd: {  	_ =	swait.ge [sflag:s14], $0x4000  }
0xde: {  	[sflag:s14] =	ssyncset.done $0x0  }
0xdf: {  	s28 =	simm.s32 $0x280;
	[sflag:s14] =	ssyncadd.s32 $0xFFFFC000  }
0xe0: {  	[tilespmem:s19], [sflag:$0x4] =	stream.indirect.gather [hbm4b:s4+s20], $0x80, s28, s20, $0xb8;
	[tilespmem:$0x1C400] =	vst v63  }
0xe1: {  	_ =	swait.ge [sflag:s24], $0x4000  }
0xe2: {  	[sflag:s24] =	ssyncset.done $0x0  }
0xe3: {  	s30 =	rddreg [dreg:$0xc];
	[sflag:s24] =	ssyncadd.s32 $0xFFFFC000  }
0xe4: {  	[hbm4b:s30+s2] =	stream.linear.scatter [tilespmem:s17], [sflag:$0xD], $0x4000, $0x38;
	[tilespmem:$0x1C400] =	vst v63  }
0xe5: {  	_ =	swait.ge [sflag:s15], $0x4000  }
0xe6: {  	[sflag:s15] =	ssyncset.done $0x0  }
0xe7: {  	[sflag:s15] =	ssyncadd.s32 $0xFFFFC000  }
0xe8: {  	[tilespmem:s18], [sflag:$0x5] =	stream.indirect.gather [hbm4b:s3+s20], $0x80, s28, s20, $0xb8;
	[tilespmem:$0x1C400] =	vst v63  }
0xe9: {  	_ =	swait.ge [sflag:s22], $0x4000  }
0xea: {  	[sflag:s22] =	ssyncset.done $0x0  }
0xeb: {  	s30 =	rddreg [dreg:$0xd];
	[sflag:s22] =	ssyncadd.s32 $0xFFFFC000  }
0xec: {  	[hbm4b:s30+s2] =	stream.linear.scatter [tilespmem:s16], [sflag:$0xE], $0x4000, $0x38;
	[tilespmem:$0x1C400] =	vst v63  }
0xed: {  	_ =	swait.ge [sflag:s13], $0x4000  }
0xee: {  	[sflag:s13] =	ssyncset.done $0x0  }
0xef: {  	[sflag:s13] =	ssyncadd.s32 $0xFFFFC000  }
0xf0: {  	[tilespmem:s17], [sflag:$0x6] =	stream.indirect.gather [hbm4b:s4+s20], $0x80, s1, s20, $0xb8;
	[tilespmem:$0x1C400] =	vst v63  }
0xf1: {  	_ =	swait.ge [sflag:s10], $0x4000  }
0xf2: {  	[sflag:s10] =	ssyncset.done $0x0  }
0xf3: {  	s30 =	rddreg [dreg:$0xe];
	[sflag:s10] =	ssyncadd.s32 $0xFFFFC000  }
0xf4: {  	[hbm4b:s30+s2] =	stream.linear.scatter [tilespmem:s8], [sflag:$0x8], $0x4000, $0x38;
	[tilespmem:$0x1C400] =	vst v63  }
0xf5: {  	_ =	swait.ge [sflag:s12], $0x4000  }
0xf6: {  	[sflag:s12] =	ssyncset.done $0x0  }
0xf7: {  	[sflag:s12] =	ssyncadd.s32 $0xFFFFC000  }
0xf8: {  	[tilespmem:s16], [sflag:$0x7] =	stream.indirect.gather [hbm4b:s3+s20], $0x80, s1, s20, $0xb8;
	[tilespmem:$0x1C400] =	vst v63  }
0xf9: {  	_ =	swait.ge [sflag:s9], $0x4000  }
0xfa: {  	[sflag:s9] =	ssyncset.done $0x0  }
0xfb: {  	s30 =	rddreg [dreg:$0xf];
	[sflag:s9] =	ssyncadd.s32 $0xFFFFC000  }
0xfc: {  	[hbm4b:s30+s2] =	stream.linear.scatter [tilespmem:s7], [sflag:$0x9], $0x4000, $0x38;
	[tilespmem:$0x1C400] =	vst v63  }
0xfd: {  	_ =	swait.ge [sflag:s6], $0x4000  }
0xfe: {  	[sflag:s6] =	ssyncset.done $0x0  }
0xff: {  	[sflag:s6] =	ssyncadd.s32 $0xFFFFC000  }
0x100: {  	[tilespmem:s8], [sflag:$0x1] =	stream.indirect.gather [hbm4b:s4+s20], $0x80, s31, s20, $0xb8;
	[tilespmem:$0x1C400] =	vst v63  }
0x101: {  	_ =	swait.ge [sflag:s26], $0x4000  }
0x102: {  	[sflag:s26] =	ssyncset.done $0x0  }
0x103: {  	s30 =	rddreg [dreg:$0x10];
	[sflag:s26] =	ssyncadd.s32 $0xFFFFC000  }
0x104: {  	[hbm4b:s30+s2] =	stream.linear.scatter [tilespmem:s21], [sflag:$0xA], $0x4000, $0x38;
	[tilespmem:$0x1C400] =	vst v63  }
0x105: {  	_ =	swait.ge [sflag:s5], $0x4000  }
0x106: {  	[sflag:s5] =	ssyncset.done $0x0  }
0x107: {  	[sflag:s5] =	ssyncadd.s32 $0xFFFFC000  }
0x108: {  	[tilespmem:s7], [sflag:$0x2] =	stream.indirect.gather [hbm4b:s3+s20], $0x80, s31, s20, $0xb8;
	[tilespmem:$0x1C400] =	vst v63  }
0x109: {  	_ =	swait.ge [sflag:s25], $0x4000  }
0x10a: {  	[sflag:s25] =	ssyncset.done $0x0  }
0x10b: {  	s30 =	rddreg [dreg:$0x11];
	[sflag:s25] =	ssyncadd.s32 $0xFFFFC000  }
0x10c: {  	[hbm4b:s30+s2] =	stream.linear.scatter [tilespmem:s19], [sflag:$0xB], $0x4000, $0x38;
	[tilespmem:$0x1C400] =	vst v63  }
0x10d: {  	_ =	swait.ge [sflag:s23], $0x4000  }
0x10e: {  	[sflag:s23] =	ssyncset.done $0x0  }
0x10f: {  	s30 =	rddreg [dreg:$0x12];
	[sflag:s23] =	ssyncadd.s32 $0xFFFFC000  }
0x110: {  	[hbm4b:s30+s2] =	stream.linear.scatter [tilespmem:s18], [sflag:$0xC], $0x4000, $0x38;
	[tilespmem:$0x1C400] =	vst v63  }
0x111: {  	_ =	swait.ge [sflag:s24], $0x4000  }
0x112: {  	[sflag:s24] =	ssyncset.done $0x0  }
0x113: {  	s30 =	rddreg [dreg:$0x13];
	[sflag:s24] =	ssyncadd.s32 $0xFFFFC000  }
0x114: {  	[hbm4b:s30+s2] =	stream.linear.scatter [tilespmem:s17], [sflag:$0xD], $0x4000, $0x38;
	[tilespmem:$0x1C400] =	vst v63  }
0x115: {  	_ =	swait.ge [sflag:s22], $0x4000  }
0x116: {  	[sflag:s22] =	ssyncset.done $0x0  }
0x117: {  	s30 =	rddreg [dreg:$0x14];
	[sflag:s22] =	ssyncadd.s32 $0xFFFFC000  }
0x118: {  	[hbm4b:s30+s2] =	stream.linear.scatter [tilespmem:s16], [sflag:$0xE], $0x4000, $0x38;
	[tilespmem:$0x1C400] =	vst v63  }
0x119: {  	_ =	swait.ge [sflag:s10], $0x4000  }
0x11a: {  	[sflag:s10] =	ssyncset.done $0x0  }
0x11b: {  	s30 =	rddreg [dreg:$0x15];
	[sflag:s10] =	ssyncadd.s32 $0xFFFFC000  }
0x11c: {  	[hbm4b:s30+s2] =	stream.linear.scatter [tilespmem:s8], [sflag:$0x8], $0x4000, $0x38;
	[tilespmem:$0x1C400] =	vst v63  }
0x11d: {  	_ =	swait.ge [sflag:s9], $0x4000  }
0x11e: {  	[sflag:s9] =	ssyncset.done $0x0  }
0x11f: {  	s30 =	rddreg [dreg:$0x16];
	[sflag:s9] =	ssyncadd.s32 $0xFFFFC000  }
0x120: {  	[hbm4b:s30+s2] =	stream.linear.scatter [tilespmem:s7], [sflag:$0x9], $0x4000, $0x38;
	[tilespmem:$0x1C400] =	vst v63  }
0x121: {  	_ =	swait.ge [sflag:s11], $0x4000  }
0x122: {  	[sflag:s11] =	ssyncset.done $0x0  }
0x123: {  	[sflag:s11] =	ssyncadd.s32 $0xFFFFC000  }
0x124: {  	_ =	swait.ge [sflag:s14], $0x4000  }
0x125: {  	[sflag:s14] =	ssyncset.done $0x0  }
0x126: {  	[sflag:s14] =	ssyncadd.s32 $0xFFFFC000  }
0x127: {  	_ =	swait.ge [sflag:s15], $0x4000  }
0x128: {  	[sflag:s15] =	ssyncset.done $0x0  }
0x129: {  	[sflag:s15] =	ssyncadd.s32 $0xFFFFC000  }
0x12a: {  	_ =	swait.ge [sflag:s13], $0x4000  }
0x12b: {  	[sflag:s13] =	ssyncset.done $0x0  }
0x12c: {  	[sflag:s13] =	ssyncadd.s32 $0xFFFFC000  }
0x12d: {  	_ =	swait.ge [sflag:s12], $0x4000  }
0x12e: {  	[sflag:s12] =	ssyncset.done $0x0  }
0x12f: {  	p1 =	sne.s32 s29, $0x1;
	[sflag:s12] =	ssyncadd.s32 $0xFFFFC000  }
.Ltmp2:
0x130: {  	_ =	swait.ge [sflag:s6], $0x4000;
	(pc) =	sbr.rel @p1 .LBB2_2-.Ltmp2, $4  }
0x131: {  	[sflag:s6] =	ssyncset.done $0x0  }
0x132: {  	[sflag:s6] =	ssyncadd.s32 $0xFFFFC000  }
0x133: {  	_ =	swait.ge [sflag:s5], $0x4000  }
0x134: {  	s29 =	sadd.s32 $0xFFFFFFFF, s29;
	s30 =	rddreg [dreg:$0x6];
	[sflag:s5] =	ssyncset.done $0x0  }
.LBB2_3:
0x135: {  	[sflag:s5] =	ssyncadd.s32 @p0 $0xFFFFC000  }
0x136: {  	[tilespmem:s2], [sflag:$0xF] =	stream.linear.gather [hbm4b:s30+s2], $0x400, $0x38;
	[tilespmem:$0x1C400] =	vst v63  }
0x137: {  	_ =	swait.ge [sflag:s0], $0x400  }
0x138: {  	[sflag:s0] =	ssyncset.done $0x0  }
0x139: {  	[sflag:s0] =	ssyncadd.s32 $0xFFFFFC00  }
0x13a: {  	[tilespmem:s8], [sflag:$0x1] =	stream.indirect.gather [hbm4b:s4+s20], $0x80, s2, s20, $0xb8;
	[tilespmem:$0x1C400] =	vst v63  }
0x13b: {  	_ = 	snop  }
0x13c: {  	[tilespmem:s7], [sflag:$0x2] =	stream.indirect.gather [hbm4b:s3+s20], $0x80, s2, s20, $0xb8;
	[tilespmem:$0x1C400] =	vst v63  }
0x13d: {  	_ = 	snop  }
0x13e: {  	[tilespmem:s21], [sflag:$0x3] =	stream.indirect.gather [hbm4b:s4+s20], $0x80, s20, s20, $0xb8;
	[tilespmem:$0x1C400] =	vst v63  }
0x13f: {  	_ = 	snop  }
0x140: {  	[tilespmem:s19], [sflag:$0x4] =	stream.indirect.gather [hbm4b:s3+s20], $0x80, s20, s20, $0xb8;
	[tilespmem:$0x1C400] =	vst v63  }
0x141: {  	s1 =	simm.s32 $0x100  }
0x142: {  	[tilespmem:s18], [sflag:$0x5] =	stream.indirect.gather [hbm4b:s4+s20], $0x80, s1, s20, $0xb8;
	[tilespmem:$0x1C400] =	vst v63  }
0x143: {  	_ = 	snop  }
0x144: {  	[tilespmem:s17], [sflag:$0x6] =	stream.indirect.gather [hbm4b:s3+s20], $0x80, s1, s20, $0xb8;
	[tilespmem:$0x1C400] =	vst v63  }
0x145: {  	_ =	swait.ge [sflag:s10], $0x4000  }
0x146: {  	[sflag:s10] =	ssyncset.done $0x0  }
0x147: {  	s28 =	rddreg [dreg:$0x7];
	[sflag:s10] =	ssyncadd.s32 $0xFFFFC000  }
0x148: {  	[hbm4b:s28+s2] =	stream.linear.scatter [tilespmem:s8], [sflag:$0x8], $0x4000, $0x38;
	[tilespmem:$0x1C400] =	vst v63  }
0x149: {  	s1 =	simm.s32 $0x180  }
0x14a: {  	[tilespmem:s16], [sflag:$0x7] =	stream.indirect.gather [hbm4b:s4+s20], $0x80, s1, s20, $0xb8;
	[tilespmem:$0x1C400] =	vst v63  }
0x14b: {  	_ =	swait.ge [sflag:s9], $0x4000  }
0x14c: {  	[sflag:s9] =	ssyncset.done $0x0  }
0x14d: {  	s29 =	rddreg [dreg:$0x8];
	[sflag:s9] =	ssyncadd.s32 $0xFFFFC000  }
0x14e: {  	[hbm4b:s29+s2] =	stream.linear.scatter [tilespmem:s7], [sflag:$0x9], $0x4000, $0x38;
	[tilespmem:$0x1C400] =	vst v63  }
0x14f: {  	_ =	swait.ge [sflag:s6], $0x4000  }
0x150: {  	[sflag:s6] =	ssyncset.done $0x0  }
0x151: {  	[sflag:s6] =	ssyncadd.s32 $0xFFFFC000  }
0x152: {  	[tilespmem:s8], [sflag:$0x1] =	stream.indirect.gather [hbm4b:s3+s20], $0x80, s1, s20, $0xb8;
	[tilespmem:$0x1C400] =	vst v63  }
0x153: {  	_ =	swait.ge [sflag:s26], $0x4000  }
0x154: {  	[sflag:s26] =	ssyncset.done $0x0  }
0x155: {  	s30 =	rddreg [dreg:$0x9];
	[sflag:s26] =	ssyncadd.s32 $0xFFFFC000  }
0x156: {  	[hbm4b:s30+s2] =	stream.linear.scatter [tilespmem:s21], [sflag:$0xA], $0x4000, $0x38;
	[tilespmem:$0x1C400] =	vst v63  }
0x157: {  	_ =	swait.ge [sflag:s5], $0x4000  }
0x158: {  	[sflag:s5] =	ssyncset.done $0x0  }
0x159: {  	s31 =	simm.s32 $0x200;
	[sflag:s5] =	ssyncadd.s32 $0xFFFFC000  }
0x15a: {  	[tilespmem:s7], [sflag:$0x2] =	stream.indirect.gather [hbm4b:s4+s20], $0x80, s31, s20, $0xb8;
	[tilespmem:$0x1C400] =	vst v63  }
0x15b: {  	_ =	swait.ge [sflag:s25], $0x4000  }
0x15c: {  	[sflag:s25] =	ssyncset.done $0x0  }
0x15d: {  	s28 =	rddreg [dreg:$0xa];
	[sflag:s25] =	ssyncadd.s32 $0xFFFFC000  }
0x15e: {  	[hbm4b:s28+s2] =	stream.linear.scatter [tilespmem:s19], [sflag:$0xB], $0x4000, $0x38;
	[tilespmem:$0x1C400] =	vst v63  }
0x15f: {  	_ =	swait.ge [sflag:s11], $0x4000  }
0x160: {  	[sflag:s11] =	ssyncset.done $0x0  }
0x161: {  	[sflag:s11] =	ssyncadd.s32 $0xFFFFC000  }
0x162: {  	[tilespmem:s21], [sflag:$0x3] =	stream.indirect.gather [hbm4b:s3+s20], $0x80, s31, s20, $0xb8;
	[tilespmem:$0x1C400] =	vst v63  }
0x163: {  	_ =	swait.ge [sflag:s23], $0x4000  }
0x164: {  	[sflag:s23] =	ssyncset.done $0x0  }
0x165: {  	s29 =	rddreg [dreg:$0xb];
	[sflag:s23] =	ssyncadd.s32 $0xFFFFC000  }
0x166: {  	[hbm4b:s29+s2] =	stream.linear.scatter [tilespmem:s18], [sflag:$0xC], $0x4000, $0x38;
	[tilespmem:$0x1C400] =	vst v63  }
0x167: {  	_ =	swait.ge [sflag:s14], $0x4000  }
0x168: {  	[sflag:s14] =	ssyncset.done $0x0  }
0x169: {  	s30 =	simm.s32 $0x280;
	[sflag:s14] =	ssyncadd.s32 $0xFFFFC000  }
0x16a: {  	[tilespmem:s19], [sflag:$0x4] =	stream.indirect.gather [hbm4b:s4+s20], $0x80, s30, s20, $0xb8;
	[tilespmem:$0x1C400] =	vst v63  }
0x16b: {  	_ =	swait.ge [sflag:s24], $0x4000  }
0x16c: {  	[sflag:s24] =	ssyncset.done $0x0  }
0x16d: {  	s31 =	rddreg [dreg:$0xc];
	[sflag:s24] =	ssyncadd.s32 $0xFFFFC000  }
0x16e: {  	[hbm4b:s31+s2] =	stream.linear.scatter [tilespmem:s17], [sflag:$0xD], $0x4000, $0x38;
	[tilespmem:$0x1C400] =	vst v63  }
0x16f: {  	_ =	swait.ge [sflag:s15], $0x4000  }
0x170: {  	[sflag:s15] =	ssyncset.done $0x0  }
0x171: {  	[sflag:s15] =	ssyncadd.s32 $0xFFFFC000  }
0x172: {  	[tilespmem:s18], [sflag:$0x5] =	stream.indirect.gather [hbm4b:s3+s20], $0x80, s30, s20, $0xb8;
	[tilespmem:$0x1C400] =	vst v63  }
0x173: {  	_ =	swait.ge [sflag:s22], $0x4000  }
0x174: {  	[sflag:s22] =	ssyncset.done $0x0  }
0x175: {  	s1 =	rddreg [dreg:$0xd];
	[sflag:s22] =	ssyncadd.s32 $0xFFFFC000  }
0x176: {  	[hbm4b:s1+s2] =	stream.linear.scatter [tilespmem:s16], [sflag:$0xE], $0x4000, $0x38;
	[tilespmem:$0x1C400] =	vst v63  }
0x177: {  	_ =	swait.ge [sflag:s13], $0x4000  }
0x178: {  	[sflag:s13] =	ssyncset.done $0x0  }
0x179: {  	s28 =	simm.s32 $0x300;
	[sflag:s13] =	ssyncadd.s32 $0xFFFFC000  }
0x17a: {  	[tilespmem:s17], [sflag:$0x6] =	stream.indirect.gather [hbm4b:s4+s20], $0x80, s28, s20, $0xb8;
	[tilespmem:$0x1C400] =	vst v63  }
0x17b: {  	_ =	swait.ge [sflag:s10], $0x4000  }
0x17c: {  	[sflag:s10] =	ssyncset.done $0x0  }
0x17d: {  	s29 =	rddreg [dreg:$0xe];
	[sflag:s10] =	ssyncadd.s32 $0xFFFFC000  }
0x17e: {  	[hbm4b:s29+s2] =	stream.linear.scatter [tilespmem:s8], [sflag:$0x8], $0x4000, $0x38;
	[tilespmem:$0x1C400] =	vst v63  }
0x17f: {  	_ =	swait.ge [sflag:s12], $0x4000  }
0x180: {  	[sflag:s12] =	ssyncset.done $0x0  }
0x181: {  	[sflag:s12] =	ssyncadd.s32 $0xFFFFC000  }
0x182: {  	[tilespmem:s16], [sflag:$0x7] =	stream.indirect.gather [hbm4b:s3+s20], $0x80, s28, s20, $0xb8;
	[tilespmem:$0x1C400] =	vst v63  }
0x183: {  	_ =	swait.ge [sflag:s9], $0x4000  }
0x184: {  	[sflag:s9] =	ssyncset.done $0x0  }
0x185: {  	s30 =	rddreg [dreg:$0xf];
	[sflag:s9] =	ssyncadd.s32 $0xFFFFC000  }
0x186: {  	[hbm4b:s30+s2] =	stream.linear.scatter [tilespmem:s7], [sflag:$0x9], $0x4000, $0x38;
	[tilespmem:$0x1C400] =	vst v63  }
0x187: {  	_ =	swait.ge [sflag:s6], $0x4000  }
0x188: {  	[sflag:s6] =	ssyncset.done $0x0  }
0x189: {  	s31 =	simm.s32 $0x380;
	[sflag:s6] =	ssyncadd.s32 $0xFFFFC000  }
0x18a: {  	[tilespmem:s8], [sflag:$0x1] =	stream.indirect.gather [hbm4b:s4+s20], $0x80, s31, s20, $0xb8;
	[tilespmem:$0x1C400] =	vst v63  }
0x18b: {  	_ =	swait.ge [sflag:s26], $0x4000  }
0x18c: {  	[sflag:s26] =	ssyncset.done $0x0  }
0x18d: {  	s4 =	rddreg [dreg:$0x10];
	[sflag:s26] =	ssyncadd.s32 $0xFFFFC000  }
0x18e: {  	[hbm4b:s4+s2] =	stream.linear.scatter [tilespmem:s21], [sflag:$0xA], $0x4000, $0x38;
	[tilespmem:$0x1C400] =	vst v63  }
0x18f: {  	_ =	swait.ge [sflag:s5], $0x4000  }
0x190: {  	[sflag:s5] =	ssyncset.done $0x0  }
0x191: {  	[sflag:s5] =	ssyncadd.s32 $0xFFFFC000  }
0x192: {  	[tilespmem:s7], [sflag:$0x2] =	stream.indirect.gather [hbm4b:s3+s20], $0x80, s31, s20, $0xb8;
	[tilespmem:$0x1C400] =	vst v63  }
0x193: {  	_ =	swait.ge [sflag:s25], $0x4000  }
0x194: {  	[sflag:s25] =	ssyncset.done $0x0  }
0x195: {  	s21 =	rddreg [dreg:$0x11];
	[sflag:s25] =	ssyncadd.s32 $0xFFFFC000  }
0x196: {  	[hbm4b:s21+s2] =	stream.linear.scatter [tilespmem:s19], [sflag:$0xB], $0x4000, $0x38;
	[tilespmem:$0x1C400] =	vst v63  }
0x197: {  	_ =	swait.ge [sflag:s23], $0x4000  }
0x198: {  	[sflag:s23] =	ssyncset.done $0x0  }
0x199: {  	s25 =	rddreg [dreg:$0x12];
	[sflag:s23] =	ssyncadd.s32 $0xFFFFC000  }
0x19a: {  	[hbm4b:s25+s2] =	stream.linear.scatter [tilespmem:s18], [sflag:$0xC], $0x4000, $0x38;
	[tilespmem:$0x1C400] =	vst v63  }
0x19b: {  	_ =	swait.ge [sflag:s24], $0x4000  }
0x19c: {  	[sflag:s24] =	ssyncset.done $0x0  }
0x19d: {  	s26 =	rddreg [dreg:$0x13];
	[sflag:s24] =	ssyncadd.s32 $0xFFFFC000  }
0x19e: {  	[hbm4b:s26+s2] =	stream.linear.scatter [tilespmem:s17], [sflag:$0xD], $0x4000, $0x38;
	[tilespmem:$0x1C400] =	vst v63  }
0x19f: {  	_ =	swait.ge [sflag:s22], $0x4000  }
0x1a0: {  	[sflag:s22] =	ssyncset.done $0x0  }
0x1a1: {  	s28 =	rddreg [dreg:$0x14];
	[sflag:s22] =	ssyncadd.s32 $0xFFFFC000  }
0x1a2: {  	[hbm4b:s28+s2] =	stream.linear.scatter [tilespmem:s16], [sflag:$0xE], $0x4000, $0x38;
	[tilespmem:$0x1C400] =	vst v63  }
0x1a3: {  	_ =	swait.ge [sflag:s10], $0x4000  }
0x1a4: {  	[sflag:s10] =	ssyncset.done $0x0  }
0x1a5: {  	s29 =	rddreg [dreg:$0x15];
	[sflag:s10] =	ssyncadd.s32 $0xFFFFC000  }
0x1a6: {  	[hbm4b:s29+s2] =	stream.linear.scatter [tilespmem:s8], [sflag:$0x8], $0x4000, $0x38;
	[tilespmem:$0x1C400] =	vst v63  }
0x1a7: {  	_ =	swait.ge [sflag:s9], $0x4000  }
0x1a8: {  	[sflag:s9] =	ssyncset.done $0x0  }
0x1a9: {  	s30 =	rddreg [dreg:$0x16];
	[sflag:s9] =	ssyncadd.s32 $0xFFFFC000  }
0x1aa: {  	[hbm4b:s30+s2] =	stream.linear.scatter [tilespmem:s7], [sflag:$0x9], $0x4000, $0x38;
	[tilespmem:$0x1C400] =	vst v63  }
0x1ab: {  	_ =	swait.ge [sflag:s11], $0x4000  }
0x1ac: {  	[sflag:s11] =	ssyncset.done $0x0  }
0x1ad: {  	[sflag:s11] =	ssyncadd.s32 $0xFFFFC000  }
0x1ae: {  	_ =	swait.ge [sflag:s14], $0x4000  }
0x1af: {  	[sflag:s14] =	ssyncset.done $0x0  }
0x1b0: {  	[sflag:s14] =	ssyncadd.s32 $0xFFFFC000  }
0x1b1: {  	_ =	swait.ge [sflag:s15], $0x4000  }
0x1b2: {  	[sflag:s15] =	ssyncset.done $0x0  }
0x1b3: {  	[sflag:s15] =	ssyncadd.s32 $0xFFFFC000  }
0x1b4: {  	_ =	swait.ge [sflag:s13], $0x4000  }
0x1b5: {  	[sflag:s13] =	ssyncset.done $0x0  }
0x1b6: {  	[sflag:s13] =	ssyncadd.s32 $0xFFFFC000  }
0x1b7: {  	_ =	swait.ge [sflag:s12], $0x4000  }
0x1b8: {  	[sflag:s12] =	ssyncset.done $0x0  }
0x1b9: {  	[sflag:s12] =	ssyncadd.s32 $0xFFFFC000  }
0x1ba: {  	_ =	swait.ge [sflag:s6], $0x4000  }
0x1bb: {  	[sflag:s6] =	ssyncset.done $0x0  }
0x1bc: {  	[sflag:s6] =	ssyncadd.s32 $0xFFFFC000  }
0x1bd: {  	_ =	swait.ge [sflag:s5], $0x4000  }
0x1be: {  	[sflag:s5] =	ssyncset.done $0x0  }
0x1bf: {  	[sflag:s5] =	ssyncadd.s32 $0xFFFFC000  }
0x1c0: {  	_ =	sfence.sel $0x180000  }
0x1c1: {  	[bflag:$0x0] =	sbarrier.arrive $0xFFFF  }
0x1c2: {  	_ =	strace $0x90000047  }
0x1c3: {  	s31 =	stileid.u32;
	[bflag:$0x2] =	sbarrier.arrive $0xFFFF  }
0x1c4: {  	p0 =	sne.s32 s31, $0x0;
	s0 =	rddreg [dreg:$0x5]  }
0x1c5: {  	s0 =	sadd.s32 @!p0 $0x100000, s0  }
0x1c6: {  	[sflag:s0] =	ssyncadd.tile.s32 @!p0 $0x1;
	_ =	shalt  }
.Lfunc_end2:
_tile_overlayer_lowered:
.L_overlay_start_2:
0x1c7: {  	(tag) =	ssettag $0x2  }
0x1c8: {  	s0 =	rddreg [dreg:$0x0];
	s2 =	stileid.u32  }
0x1c9: {  	s1 =	rddreg [dreg:$0x1];
	p0 =	sne.s32 s2, $0x0  }
0x1ca: {  	s3 =	rddreg [dreg:$0x2];
	[bflag:$0x3] =	sbarrier.arrive $0xFFFF;
	s2 =	simm.s32 @!p0 $0x1C0F  }
0x1cb: {  	[timem:s3], [sflag:s2] =	dma.local @!p0 [hbm:s0], s1  }
0x1cc: {  	s0 =	simm.s32 @!p0 $0xF  }
0x1cd: {  	_ =	swait.ge @!p0 [sflag:s0], s1  }
0x1ce: {  	s1 =	ssub.s32 @!p0 $0x0, s1;
	[sflag:s0] =	ssyncset.done @!p0 $0x0  }
0x1cf: {  	[sflag:s0] =	ssyncadd.s32 @!p0 s1  }
0x1d0: {  	[bflag:$0x3] =	sbarrier.arrive $0xFFFF  }
0x1d1: {  	_ =	shalt  }

</sc_bundles>
